<compile_context>
chip_gen: v7x
topology: tpu7x:2x2x1
jax: 0.10.2.dev20260603
libtpu: 0.0.44.dev20260713+nightly
codegen_flags: <defaults>
</compile_context>

<pallas_src>
import functools

import jax
import jax.numpy as jnp
from jax import lax
from jax.experimental import pallas as pl
from jax.experimental.pallas import tpu as pltpu
from jax.experimental.pallas import tpu_sc as plsc

N = 16384
K = 8192
D = 32
COMMIT_W = 0.25
BN = 512
NB = N // BN
HK = K // 2


def _half_argmin(d2, base):
    v = d2[:, base:base + 128]
    for g in range(1, HK // 128):
        v = jnp.minimum(v, d2[:, base + g * 128:base + (g + 1) * 128])
    md2 = jnp.maximum(jnp.min(v, axis=1, keepdims=True), 0.0)
    s = jnp.sqrt(md2)
    cb = lax.bitcast_convert_type(s * s, jnp.int32)
    h = md2
    for delta in (-1, 0, 1, 2, 3):
        cand = lax.bitcast_convert_type(jnp.maximum(cb + delta, 0), jnp.float32)
        ok = jnp.sqrt(cand) == s
        h = jnp.where(ok & (cand > h), cand, h)
    big = jnp.int32(K)
    jm = jnp.full((BN, 128), big, jnp.int32)
    for g in range(HK // 128):
        le = d2[:, base + g * 128:base + (g + 1) * 128] <= h
        jm = jnp.minimum(jm, jnp.where(le, g, big))
    col = jm * 128 + lax.broadcasted_iota(jnp.int32, (BN, 128), 1)
    ih = jnp.min(col, axis=1)
    return s[:, 0], ih


def _argmin_body(x_ref, wt_ref, x2_ref, w2_ref, idx_ref, loss_ref, acc_ref):
    i = pl.program_id(0)
    x_blk = x_ref[...]
    wt = wt_ref[...]
    m2 = jax.lax.dot_general(
        x_blk, wt, (((1,), (0,)), ((), ())),
        preferred_element_type=jnp.float32,
    )
    d2 = (x2_ref[...] + w2_ref[...]) - m2
    m0, i0 = _half_argmin(d2, 0)
    m1, i1 = _half_argmin(d2, HK)
    a0 = m0.astype(jnp.bfloat16).astype(jnp.float32)
    win1 = m1 < a0
    idx = jnp.where(win1, i1 + HK, i0)
    idx_ref[0, 0, :] = idx
    msel = jnp.where(win1, m1, m0)
    part = jnp.sum(msel * msel)

    @pl.when(i == 0)
    def _():
        acc_ref[0] = 0.0

    acc_ref[0] += part

    @pl.when(i == NB - 1)
    def _():
        loss_ref[...] = jnp.full((1, 1), acc_ref[0], jnp.float32)


def _distance_argmin(x, weight):
    x2 = jnp.sum(x * x, axis=-1, keepdims=True)
    w2 = jnp.sum(weight * weight, axis=-1)[None, :]
    wt = (2.0 * weight).T
    idx3, loss_sum = pl.pallas_call(
        _argmin_body,
        grid=(NB,),
        in_specs=[
            pl.BlockSpec((BN, D), lambda i: (i, 0)),
            pl.BlockSpec((D, K), lambda i: (0, 0)),
            pl.BlockSpec((BN, 1), lambda i: (i, 0)),
            pl.BlockSpec((1, K), lambda i: (0, 0)),
        ],
        out_specs=[
            pl.BlockSpec((1, 1, BN), lambda i: (i, 0, 0)),
            pl.BlockSpec((1, 1), lambda i: (0, 0)),
        ],
        out_shape=[
            jax.ShapeDtypeStruct((NB, 1, BN), jnp.int32),
            jax.ShapeDtypeStruct((1, 1), jnp.float32),
        ],
        scratch_shapes=[pltpu.SMEM((1,), jnp.float32)],
    )(x, wt, x2, w2)
    return idx3.reshape(N), loss_sum[0, 0]


GD = 128


def _sc_gather(weight, idx):
    info = plsc.get_sparse_core_info()
    nw = info.num_cores * info.num_subcores
    bpw = N // nw
    mesh = plsc.VectorSubcoreMesh(core_axis_name="c", subcore_axis_name="s")
    wp = jnp.pad(weight, ((0, 0), (0, GD - D)))

    @functools.partial(
        pl.kernel,
        mesh=mesh,
        out_type=jax.ShapeDtypeStruct((N, GD), jnp.float32),
        scratch_types=[
            pltpu.VMEM((bpw,), jnp.int32),
            pltpu.VMEM((bpw, GD), jnp.float32),
            pltpu.SemaphoreType.DMA,
        ],
    )
    def gather_kernel(table_hbm, idx_hbm, out_hbm, idx_v, rows_v, sem):
        wid = lax.axis_index("s") * info.num_cores + lax.axis_index("c")
        base = wid * bpw
        pltpu.sync_copy(idx_hbm.at[pl.ds(base, bpw)], idx_v)
        pltpu.async_copy(table_hbm.at[idx_v], rows_v, sem).wait()
        pltpu.sync_copy(rows_v, out_hbm.at[pl.ds(base, bpw)])

    return gather_kernel(wp, idx)[:, :D]


def kernel(x, weight):
    idx, loss_sum = _distance_argmin(x, weight)
    quantised = _sc_gather(weight, idx)
    loss = (1.0 + COMMIT_W) * loss_sum / (N * D)
    quantised_st = x + lax.stop_gradient(quantised - x)
    return (quantised_st, loss, idx)

# --- scband reference (transcript-rebuilt; emitter-appended) ---
"""Pipeline reference for scband-quantiser-25280177504503 (READ-ONLY COPY).

The authoritative reference and input builder live on the scoring server;
editing this copy changes nothing except your own understanding.
"""

import jax, jax.numpy as jnp
import numpy as np

VOCAB = 8192
DIM = 32
COMMIT = 0.25

def setup_inputs(seed: int = 0) -> dict:
    key = jax.random.key(seed)
    kx, kw = jax.random.split(key)
    x = jax.random.normal(kx, (16384, DIM), dtype=jnp.float32)
    weight = jax.random.uniform(kw, (VOCAB, DIM), dtype=jnp.float32, minval=-0.5, maxval=0.5)
    return {"x": x, "weight": weight}

def _cdist(x, w):
    # Euclidean distance matrix, same result as torch.cdist(x, w, p=2)
    x2 = jnp.sum(x * x, axis=-1, keepdims=True)          # [N, 1]
    w2 = jnp.sum(w * w, axis=-1)[None, :]                # [1, K]
    d2 = x2 + w2 - 2.0 * (x @ w.T)
    return jnp.sqrt(jnp.maximum(d2, 0.0))

def reference(x, weight):
    distances = _cdist(x, weight)                        # [N, K]
    min_distance_index = jnp.argmin(distances, axis=-1)  # [N]
    quantised = jnp.take(weight, min_distance_index, axis=0)  # embedding lookup
    codebook_loss = jnp.mean((quantised - jax.lax.stop_gradient(x)) ** 2)
    e_latent_loss = jnp.mean((jax.lax.stop_gradient(quantised) - x) ** 2)
    loss = codebook_loss + COMMIT * e_latent_loss
    quantised_st = x + jax.lax.stop_gradient(quantised - x)
    return (quantised_st, loss, min_distance_index)

if __name__ == "__main__":
    import jax
    _d = setup_inputs()
    print(jax.jit(kernel)(*tuple(_d.values())))

</pallas_src>

<mosaic_0001>
#map = affine_map<(d0, d1) -> (0, 0)>
#map1 = affine_map<(d0, d1) -> (0)>
module attributes {stable_mosaic.version = 14 : i64} {
  func.func @gather_kernel(%arg0: i32, %arg1: i32, %arg2: memref<8192x128xf32, #tpu.memory_space<hbm>>, %arg3: memref<16384xi32, #tpu.memory_space<hbm>>, %arg4: memref<16384x128xf32, #tpu.memory_space<hbm>>, %arg5: memref<512xi32, #tpu.memory_space<vmem>>, %arg6: memref<512x128xf32, #tpu.memory_space<vmem>>, %arg7: memref<!tpu.dma_semaphore, #tpu.memory_space<semaphore_mem>>) attributes {dimension_semantics = [#tpu.dimension_semantics<core_parallel>, #tpu.dimension_semantics<subcore_parallel>], iteration_bounds = array<i64: 2, 16>, scalar_prefetch = 0 : i64, scratch_operands = 3 : i64, tpu.core_type = #tpu.core_type<sc_vector_subcore>, window_params = [{transform_indices = #map}, {transform_indices = #map1}, {transform_indices = #map}]} {
    %mul3A = arith.constant 2 : i32
    %mul3A_0 = arith.muli %arg1, %mul3A : i32
    %add3A = arith.addi %mul3A_0, %arg0 : i32
    %mul3A_1 = arith.constant 512 : i32
    %mul3A_2 = arith.muli %add3A, %mul3A_1 : i32
    "tpu.region"() ({
      %run_scoped3A = tpu.sem_alloc : memref<!tpu.dma_semaphore, #tpu.memory_space<semaphore_mem>>
      %dma_start3A_7 = tpu.memref_slice %arg3[%mul3A_2] : memref<16384xi32, #tpu.memory_space<hbm>> -> memref<512xi32, #tpu.memory_space<hbm>>
      %dma_start3A_8 = tpu.memref_slice %arg3[%mul3A_2] : memref<16384xi32, #tpu.memory_space<hbm>> -> memref<512xi32, #tpu.memory_space<hbm>>
      tpu.enqueue_dma source(%dma_start3A_8 : memref<512xi32, #tpu.memory_space<hbm>>) target(%arg5 : memref<512xi32, #tpu.memory_space<vmem>>) target_semaphore(%run_scoped3A : memref<!tpu.dma_semaphore, #tpu.memory_space<semaphore_mem>>)
      %dma_wait3A_9 = tpu.memref_slice %arg3[%mul3A_2] : memref<16384xi32, #tpu.memory_space<hbm>> -> memref<512xi32, #tpu.memory_space<hbm>>
      %dma_wait3A_10 = tpu.memref_slice %arg3[%mul3A_2] : memref<16384xi32, #tpu.memory_space<hbm>> -> memref<512xi32, #tpu.memory_space<hbm>>
      tpu.wait_dma2 semaphore(%run_scoped3A : memref<!tpu.dma_semaphore, #tpu.memory_space<semaphore_mem>>) src(%dma_wait3A_10 : memref<512xi32, #tpu.memory_space<hbm>>) dst(%arg5 : memref<512xi32, #tpu.memory_space<vmem>>)
      tpu.yield
    }) : () -> ()
    %dma_start3A = arith.constant 0 : i32
    %dma_start3A_3 = arith.constant 0 : i32
    %dma_start3A_4 = tpu.memref_slice %arg2[%dma_start3A, %dma_start3A_3] : memref<8192x128xf32, #tpu.memory_space<hbm>> -> memref<8192x128xf32, #tpu.memory_space<hbm>>
    tpu.enqueue_indirect_dma source(%dma_start3A_4 : memref<8192x128xf32, #tpu.memory_space<hbm>>) target(%arg6 : memref<512x128xf32, #tpu.memory_space<vmem>>) offsets(%arg5 : memref<512xi32, #tpu.memory_space<vmem>>) semaphore(%arg7 : memref<!tpu.dma_semaphore, #tpu.memory_space<semaphore_mem>>)
    %dma_wait3A = arith.constant 0 : i32
    %dma_wait3A_5 = arith.constant 0 : i32
    %dma_wait3A_6 = tpu.memref_slice %arg2[%dma_wait3A, %dma_wait3A_5] : memref<8192x128xf32, #tpu.memory_space<hbm>> -> memref<8192x128xf32, #tpu.memory_space<hbm>>
    tpu.wait_indirect_dma semaphore(%arg7 : memref<!tpu.dma_semaphore, #tpu.memory_space<semaphore_mem>>) src(%dma_wait3A_6 : memref<8192x128xf32, #tpu.memory_space<hbm>>) dst(%arg6 : memref<512x128xf32, #tpu.memory_space<vmem>>)
    "tpu.region"() ({
      %run_scoped3A = tpu.sem_alloc : memref<!tpu.dma_semaphore, #tpu.memory_space<semaphore_mem>>
      %dma_start3A_7 = arith.constant 0 : i32
      %dma_start3A_8 = tpu.memref_slice %arg4[%mul3A_2, %dma_start3A_7] : memref<16384x128xf32, #tpu.memory_space<hbm>> -> memref<512x128xf32, #tpu.memory_space<hbm>>
      %dma_start3A_9 = arith.constant 0 : i32
      %dma_start3A_10 = tpu.memref_slice %arg4[%mul3A_2, %dma_start3A_9] : memref<16384x128xf32, #tpu.memory_space<hbm>> -> memref<512x128xf32, #tpu.memory_space<hbm>>
      tpu.enqueue_dma source(%arg6 : memref<512x128xf32, #tpu.memory_space<vmem>>) target(%dma_start3A_10 : memref<512x128xf32, #tpu.memory_space<hbm>>) target_semaphore(%run_scoped3A : memref<!tpu.dma_semaphore, #tpu.memory_space<semaphore_mem>>)
      %dma_wait3A_11 = arith.constant 0 : i32
      %dma_wait3A_12 = tpu.memref_slice %arg4[%mul3A_2, %dma_wait3A_11] : memref<16384x128xf32, #tpu.memory_space<hbm>> -> memref<512x128xf32, #tpu.memory_space<hbm>>
      %dma_wait3A_13 = arith.constant 0 : i32
      %dma_wait3A_14 = tpu.memref_slice %arg4[%mul3A_2, %dma_wait3A_13] : memref<16384x128xf32, #tpu.memory_space<hbm>> -> memref<512x128xf32, #tpu.memory_space<hbm>>
      tpu.wait_dma2 semaphore(%run_scoped3A : memref<!tpu.dma_semaphore, #tpu.memory_space<semaphore_mem>>) src(%arg6 : memref<512x128xf32, #tpu.memory_space<vmem>>) dst(%dma_wait3A_14 : memref<512x128xf32, #tpu.memory_space<hbm>>)
      tpu.yield
    }) : () -> ()
    return
  }
}

module attributes {stable_mosaic.version = 14 : i64} {
  func.func @_argmin_body(%arg0: i32, %arg1: memref<512x32xf32, #tpu.memory_space<vmem>>, %arg2: memref<32x8192xf32, #tpu.memory_space<vmem>>, %arg3: memref<512x1xf32, #tpu.memory_space<vmem>>, %arg4: memref<1x8192xf32, #tpu.memory_space<vmem>>, %arg5: memref<1x1x512xi32, #tpu.memory_space<vmem>>, %arg6: memref<1x1xf32, #tpu.memory_space<vmem>>, %arg7: memref<1xf32, #tpu.memory_space<smem>>) attributes {dimension_semantics = [#tpu.dimension_semantics<arbitrary>], iteration_bounds = array<i64: 32>, scalar_prefetch = 0 : i64, scratch_operands = 1 : i64, tpu.core_type = #tpu.core_type<tc>, window_params = [{transform_indices = @transform_0, window_bounds = array<i64: 512, 32>}, {pipeline_mode = #tpu.pipeline_mode<synchronous>, transform_indices = @transform_1, window_bounds = array<i64: 32, 8192>}, {transform_indices = @transform_2, window_bounds = array<i64: 512, 1>}, {pipeline_mode = #tpu.pipeline_mode<synchronous>, transform_indices = @transform_3, window_bounds = array<i64: 1, 8192>}, {transform_indices = @transform_4, window_bounds = array<i64: 1, 1, 512>}, {pipeline_mode = #tpu.pipeline_mode<synchronous>, transform_indices = @transform_5, window_bounds = array<i64: 1, 1>}]} {
    %get3A = arith.constant 0 : index
    %get3A_0 = arith.constant 0 : index
    %get3A_1 = vector.load %arg1[%get3A, %get3A_0] : memref<512x32xf32, #tpu.memory_space<vmem>>, vector<512x32xf32>
    %get3A_2 = arith.constant 0 : index
    %get3A_3 = arith.constant 0 : index
    %get3A_4 = vector.load %arg2[%get3A_2, %get3A_3] : memref<32x8192xf32, #tpu.memory_space<vmem>>, vector<32x8192xf32>
    %dot_general3A = arith.constant dense<0.000000e+00> : vector<512x8192xf32>
    %dot_general3A_5 = tpu.matmul %get3A_1, %get3A_4, %dot_general3A {dimension_numbers = #tpu.dot_dimension_numbers<[1], [0], [0], [1], [0, 0, 1, 1], [], []>, transpose_lhs_hint = false} : vector<512x32xf32>, vector<32x8192xf32>, vector<512x8192xf32> -> vector<512x8192xf32>
    %get3A_6 = arith.constant 0 : index
    %get3A_7 = arith.constant 0 : index
    %get3A_8 = vector.load %arg3[%get3A_6, %get3A_7] : memref<512x1xf32, #tpu.memory_space<vmem>>, vector<512x1xf32>
    %get3A_9 = arith.constant 0 : index
    %get3A_10 = arith.constant 0 : index
    %get3A_11 = vector.load %arg4[%get3A_9, %get3A_10] : memref<1x8192xf32, #tpu.memory_space<vmem>>, vector<1x8192xf32>
    %add3A = vector.broadcast %get3A_8 : vector<512x1xf32> to vector<512x8192xf32>
    %add3A_12 = vector.broadcast %get3A_11 : vector<1x8192xf32> to vector<512x8192xf32>
    %add3A_13 = arith.addf %add3A, %add3A_12 : vector<512x8192xf32>
    %sub3A = arith.subf %add3A_13, %dot_general3A_5 : vector<512x8192xf32>
    %slice3A = vector.extract_strided_slice %sub3A {offsets = [0, 0], sizes = [512, 128], strides = [1, 1]} : vector<512x8192xf32> to vector<512x128xf32>
    %slice3A_14 = vector.extract_strided_slice %sub3A {offsets = [0, 128], sizes = [512, 128], strides = [1, 1]} : vector<512x8192xf32> to vector<512x128xf32>
    %min3A = arith.minimumf %slice3A, %slice3A_14 : vector<512x128xf32>
    %slice3A_15 = vector.extract_strided_slice %sub3A {offsets = [0, 256], sizes = [512, 128], strides = [1, 1]} : vector<512x8192xf32> to vector<512x128xf32>
    %min3A_16 = arith.minimumf %min3A, %slice3A_15 : vector<512x128xf32>
    %slice3A_17 = vector.extract_strided_slice %sub3A {offsets = [0, 384], sizes = [512, 128], strides = [1, 1]} : vector<512x8192xf32> to vector<512x128xf32>
    %min3A_18 = arith.minimumf %min3A_16, %slice3A_17 : vector<512x128xf32>
    %slice3A_19 = vector.extract_strided_slice %sub3A {offsets = [0, 512], sizes = [512, 128], strides = [1, 1]} : vector<512x8192xf32> to vector<512x128xf32>
    %min3A_20 = arith.minimumf %min3A_18, %slice3A_19 : vector<512x128xf32>
    %slice3A_21 = vector.extract_strided_slice %sub3A {offsets = [0, 640], sizes = [512, 128], strides = [1, 1]} : vector<512x8192xf32> to vector<512x128xf32>
    %min3A_22 = arith.minimumf %min3A_20, %slice3A_21 : vector<512x128xf32>
    %slice3A_23 = vector.extract_strided_slice %sub3A {offsets = [0, 768], sizes = [512, 128], strides = [1, 1]} : vector<512x8192xf32> to vector<512x128xf32>
    %min3A_24 = arith.minimumf %min3A_22, %slice3A_23 : vector<512x128xf32>
    %slice3A_25 = vector.extract_strided_slice %sub3A {offsets = [0, 896], sizes = [512, 128], strides = [1, 1]} : vector<512x8192xf32> to vector<512x128xf32>
    %min3A_26 = arith.minimumf %min3A_24, %slice3A_25 : vector<512x128xf32>
    %slice3A_27 = vector.extract_strided_slice %sub3A {offsets = [0, 1024], sizes = [512, 128], strides = [1, 1]} : vector<512x8192xf32> to vector<512x128xf32>
    %min3A_28 = arith.minimumf %min3A_26, %slice3A_27 : vector<512x128xf32>
    %slice3A_29 = vector.extract_strided_slice %sub3A {offsets = [0, 1152], sizes = [512, 128], strides = [1, 1]} : vector<512x8192xf32> to vector<512x128xf32>
    %min3A_30 = arith.minimumf %min3A_28, %slice3A_29 : vector<512x128xf32>
    %slice3A_31 = vector.extract_strided_slice %sub3A {offsets = [0, 1280], sizes = [512, 128], strides = [1, 1]} : vector<512x8192xf32> to vector<512x128xf32>
    %min3A_32 = arith.minimumf %min3A_30, %slice3A_31 : vector<512x128xf32>
    %slice3A_33 = vector.extract_strided_slice %sub3A {offsets = [0, 1408], sizes = [512, 128], strides = [1, 1]} : vector<512x8192xf32> to vector<512x128xf32>
    %min3A_34 = arith.minimumf %min3A_32, %slice3A_33 : vector<512x128xf32>
    %slice3A_35 = vector.extract_strided_slice %sub3A {offsets = [0, 1536], sizes = [512, 128], strides = [1, 1]} : vector<512x8192xf32> to vector<512x128xf32>
    %min3A_36 = arith.minimumf %min3A_34, %slice3A_35 : vector<512x128xf32>
    %slice3A_37 = vector.extract_strided_slice %sub3A {offsets = [0, 1664], sizes = [512, 128], strides = [1, 1]} : vector<512x8192xf32> to vector<512x128xf32>
    %min3A_38 = arith.minimumf %min3A_36, %slice3A_37 : vector<512x128xf32>
    %slice3A_39 = vector.extract_strided_slice %sub3A {offsets = [0, 1792], sizes = [512, 128], strides = [1, 1]} : vector<512x8192xf32> to vector<512x128xf32>
    %min3A_40 = arith.minimumf %min3A_38, %slice3A_39 : vector<512x128xf32>
    %slice3A_41 = vector.extract_strided_slice %sub3A {offsets = [0, 1920], sizes = [512, 128], strides = [1, 1]} : vector<512x8192xf32> to vector<512x128xf32>
    %min3A_42 = arith.minimumf %min3A_40, %slice3A_41 : vector<512x128xf32>
    %slice3A_43 = vector.extract_strided_slice %sub3A {offsets = [0, 2048], sizes = [512, 128], strides = [1, 1]} : vector<512x8192xf32> to vector<512x128xf32>
    %min3A_44 = arith.minimumf %min3A_42, %slice3A_43 : vector<512x128xf32>
    %slice3A_45 = vector.extract_strided_slice %sub3A {offsets = [0, 2176], sizes = [512, 128], strides = [1, 1]} : vector<512x8192xf32> to vector<512x128xf32>
    %min3A_46 = arith.minimumf %min3A_44, %slice3A_45 : vector<512x128xf32>
    %slice3A_47 = vector.extract_strided_slice %sub3A {offsets = [0, 2304], sizes = [512, 128], strides = [1, 1]} : vector<512x8192xf32> to vector<512x128xf32>
    %min3A_48 = arith.minimumf %min3A_46, %slice3A_47 : vector<512x128xf32>
    %slice3A_49 = vector.extract_strided_slice %sub3A {offsets = [0, 2432], sizes = [512, 128], strides = [1, 1]} : vector<512x8192xf32> to vector<512x128xf32>
    %min3A_50 = arith.minimumf %min3A_48, %slice3A_49 : vector<512x128xf32>
    %slice3A_51 = vector.extract_strided_slice %sub3A {offsets = [0, 2560], sizes = [512, 128], strides = [1, 1]} : vector<512x8192xf32> to vector<512x128xf32>
    %min3A_52 = arith.minimumf %min3A_50, %slice3A_51 : vector<512x128xf32>
    %slice3A_53 = vector.extract_strided_slice %sub3A {offsets = [0, 2688], sizes = [512, 128], strides = [1, 1]} : vector<512x8192xf32> to vector<512x128xf32>
    %min3A_54 = arith.minimumf %min3A_52, %slice3A_53 : vector<512x128xf32>
    %slice3A_55 = vector.extract_strided_slice %sub3A {offsets = [0, 2816], sizes = [512, 128], strides = [1, 1]} : vector<512x8192xf32> to vector<512x128xf32>
    %min3A_56 = arith.minimumf %min3A_54, %slice3A_55 : vector<512x128xf32>
    %slice3A_57 = vector.extract_strided_slice %sub3A {offsets = [0, 2944], sizes = [512, 128], strides = [1, 1]} : vector<512x8192xf32> to vector<512x128xf32>
    %min3A_58 = arith.minimumf %min3A_56, %slice3A_57 : vector<512x128xf32>
    %slice3A_59 = vector.extract_strided_slice %sub3A {offsets = [0, 3072], sizes = [512, 128], strides = [1, 1]} : vector<512x8192xf32> to vector<512x128xf32>
    %min3A_60 = arith.minimumf %min3A_58, %slice3A_59 : vector<512x128xf32>
    %slice3A_61 = vector.extract_strided_slice %sub3A {offsets = [0, 3200], sizes = [512, 128], strides = [1, 1]} : vector<512x8192xf32> to vector<512x128xf32>
    %min3A_62 = arith.minimumf %min3A_60, %slice3A_61 : vector<512x128xf32>
    %slice3A_63 = vector.extract_strided_slice %sub3A {offsets = [0, 3328], sizes = [512, 128], strides = [1, 1]} : vector<512x8192xf32> to vector<512x128xf32>
    %min3A_64 = arith.minimumf %min3A_62, %slice3A_63 : vector<512x128xf32>
    %slice3A_65 = vector.extract_strided_slice %sub3A {offsets = [0, 3456], sizes = [512, 128], strides = [1, 1]} : vector<512x8192xf32> to vector<512x128xf32>
    %min3A_66 = arith.minimumf %min3A_64, %slice3A_65 : vector<512x128xf32>
    %slice3A_67 = vector.extract_strided_slice %sub3A {offsets = [0, 3584], sizes = [512, 128], strides = [1, 1]} : vector<512x8192xf32> to vector<512x128xf32>
    %min3A_68 = arith.minimumf %min3A_66, %slice3A_67 : vector<512x128xf32>
    %slice3A_69 = vector.extract_strided_slice %sub3A {offsets = [0, 3712], sizes = [512, 128], strides = [1, 1]} : vector<512x8192xf32> to vector<512x128xf32>
    %min3A_70 = arith.minimumf %min3A_68, %slice3A_69 : vector<512x128xf32>
    %slice3A_71 = vector.extract_strided_slice %sub3A {offsets = [0, 3840], sizes = [512, 128], strides = [1, 1]} : vector<512x8192xf32> to vector<512x128xf32>
    %min3A_72 = arith.minimumf %min3A_70, %slice3A_71 : vector<512x128xf32>
    %slice3A_73 = vector.extract_strided_slice %sub3A {offsets = [0, 3968], sizes = [512, 128], strides = [1, 1]} : vector<512x8192xf32> to vector<512x128xf32>
    %min3A_74 = arith.minimumf %min3A_72, %slice3A_73 : vector<512x128xf32>
    %reduce_min3A = arith.constant dense<0x7F800000> : vector<512xf32>
    %reduce_min3A_75 = vector.multi_reduction <minimumf>, %min3A_74, %reduce_min3A [1] : vector<512x128xf32> to vector<512xf32>
    %broadcast_in_dim3A = vector.shape_cast %reduce_min3A_75 : vector<512xf32> to vector<512x1xf32>
    %max3A = arith.constant 0.000000e+00 : f32
    %max3A_76 = vector.broadcast %max3A : f32 to vector<512x1xf32>
    %max3A_77 = arith.maximumf %broadcast_in_dim3A, %max3A_76 : vector<512x1xf32>
    %sqrt3A = math.sqrt %max3A_77 : vector<512x1xf32>
    %mul3A = arith.mulf %sqrt3A, %sqrt3A : vector<512x1xf32>
    %bitcast_convert_type3A = tpu.bitcast %mul3A : vector<512x1xf32> -> vector<512x1xi32>
    %add3A_78 = arith.constant -1 : i32
    %add3A_79 = vector.broadcast %add3A_78 : i32 to vector<512x1xi32>
    %add3A_80 = arith.addi %bitcast_convert_type3A, %add3A_79 : vector<512x1xi32>
    %max3A_81 = arith.constant 0 : i32
    %max3A_82 = vector.broadcast %max3A_81 : i32 to vector<512x1xi32>
    %max3A_83 = arith.maxsi %add3A_80, %max3A_82 : vector<512x1xi32>
    %bitcast_convert_type3A_84 = tpu.bitcast %max3A_83 : vector<512x1xi32> -> vector<512x1xf32>
    %sqrt3A_85 = math.sqrt %bitcast_convert_type3A_84 : vector<512x1xf32>
    %eq3A = arith.cmpf oeq, %sqrt3A_85, %sqrt3A : vector<512x1xf32>
    %gt3A = arith.cmpf ogt, %bitcast_convert_type3A_84, %max3A_77 : vector<512x1xf32>
    %and3A = arith.andi %eq3A, %gt3A : vector<512x1xi1>
    %select_n3A = arith.select %and3A, %bitcast_convert_type3A_84, %max3A_77 : vector<512x1xi1>, vector<512x1xf32>
    %add3A_86 = arith.constant 0 : i32
    %add3A_87 = vector.broadcast %add3A_86 : i32 to vector<512x1xi32>
    %add3A_88 = arith.addi %bitcast_convert_type3A, %add3A_87 : vector<512x1xi32>
    %max3A_89 = arith.constant 0 : i32
    %max3A_90 = vector.broadcast %max3A_89 : i32 to vector<512x1xi32>
    %max3A_91 = arith.maxsi %add3A_88, %max3A_90 : vector<512x1xi32>
    %bitcast_convert_type3A_92 = tpu.bitcast %max3A_91 : vector<512x1xi32> -> vector<512x1xf32>
    %sqrt3A_93 = math.sqrt %bitcast_convert_type3A_92 : vector<512x1xf32>
    %eq3A_94 = arith.cmpf oeq, %sqrt3A_93, %sqrt3A : vector<512x1xf32>
    %gt3A_95 = arith.cmpf ogt, %bitcast_convert_type3A_92, %select_n3A : vector<512x1xf32>
    %and3A_96 = arith.andi %eq3A_94, %gt3A_95 : vector<512x1xi1>
    %select_n3A_97 = arith.select %and3A_96, %bitcast_convert_type3A_92, %select_n3A : vector<512x1xi1>, vector<512x1xf32>
    %add3A_98 = arith.constant 1 : i32
    %add3A_99 = vector.broadcast %add3A_98 : i32 to vector<512x1xi32>
    %add3A_100 = arith.addi %bitcast_convert_type3A, %add3A_99 : vector<512x1xi32>
    %max3A_101 = arith.constant 0 : i32
    %max3A_102 = vector.broadcast %max3A_101 : i32 to vector<512x1xi32>
    %max3A_103 = arith.maxsi %add3A_100, %max3A_102 : vector<512x1xi32>
    %bitcast_convert_type3A_104 = tpu.bitcast %max3A_103 : vector<512x1xi32> -> vector<512x1xf32>
    %sqrt3A_105 = math.sqrt %bitcast_convert_type3A_104 : vector<512x1xf32>
    %eq3A_106 = arith.cmpf oeq, %sqrt3A_105, %sqrt3A : vector<512x1xf32>
    %gt3A_107 = arith.cmpf ogt, %bitcast_convert_type3A_104, %select_n3A_97 : vector<512x1xf32>
    %and3A_108 = arith.andi %eq3A_106, %gt3A_107 : vector<512x1xi1>
    %select_n3A_109 = arith.select %and3A_108, %bitcast_convert_type3A_104, %select_n3A_97 : vector<512x1xi1>, vector<512x1xf32>
    %add3A_110 = arith.constant 2 : i32
    %add3A_111 = vector.broadcast %add3A_110 : i32 to vector<512x1xi32>
    %add3A_112 = arith.addi %bitcast_convert_type3A, %add3A_111 : vector<512x1xi32>
    %max3A_113 = arith.constant 0 : i32
    %max3A_114 = vector.broadcast %max3A_113 : i32 to vector<512x1xi32>
    %max3A_115 = arith.maxsi %add3A_112, %max3A_114 : vector<512x1xi32>
    %bitcast_convert_type3A_116 = tpu.bitcast %max3A_115 : vector<512x1xi32> -> vector<512x1xf32>
    %sqrt3A_117 = math.sqrt %bitcast_convert_type3A_116 : vector<512x1xf32>
    %eq3A_118 = arith.cmpf oeq, %sqrt3A_117, %sqrt3A : vector<512x1xf32>
    %gt3A_119 = arith.cmpf ogt, %bitcast_convert_type3A_116, %select_n3A_109 : vector<512x1xf32>
    %and3A_120 = arith.andi %eq3A_118, %gt3A_119 : vector<512x1xi1>
    %select_n3A_121 = arith.select %and3A_120, %bitcast_convert_type3A_116, %select_n3A_109 : vector<512x1xi1>, vector<512x1xf32>
    %add3A_122 = arith.constant 3 : i32
    %add3A_123 = vector.broadcast %add3A_122 : i32 to vector<512x1xi32>
    %add3A_124 = arith.addi %bitcast_convert_type3A, %add3A_123 : vector<512x1xi32>
    %max3A_125 = arith.constant 0 : i32
    %max3A_126 = vector.broadcast %max3A_125 : i32 to vector<512x1xi32>
    %max3A_127 = arith.maxsi %add3A_124, %max3A_126 : vector<512x1xi32>
    %bitcast_convert_type3A_128 = tpu.bitcast %max3A_127 : vector<512x1xi32> -> vector<512x1xf32>
    %sqrt3A_129 = math.sqrt %bitcast_convert_type3A_128 : vector<512x1xf32>
    %eq3A_130 = arith.cmpf oeq, %sqrt3A_129, %sqrt3A : vector<512x1xf32>
    %gt3A_131 = arith.cmpf ogt, %bitcast_convert_type3A_128, %select_n3A_121 : vector<512x1xf32>
    %and3A_132 = arith.andi %eq3A_130, %gt3A_131 : vector<512x1xi1>
    %select_n3A_133 = arith.select %and3A_132, %bitcast_convert_type3A_128, %select_n3A_121 : vector<512x1xi1>, vector<512x1xf32>
    %broadcast_in_dim3A_134 = arith.constant 8192 : i32
    %broadcast_in_dim3A_135 = vector.broadcast %broadcast_in_dim3A_134 : i32 to vector<512x128xi32>
    %slice3A_136 = vector.extract_strided_slice %sub3A {offsets = [0, 0], sizes = [512, 128], strides = [1, 1]} : vector<512x8192xf32> to vector<512x128xf32>
    %le3A = vector.broadcast %select_n3A_133 : vector<512x1xf32> to vector<512x128xf32>
    %le3A_137 = arith.cmpf ole, %slice3A_136, %le3A : vector<512x128xf32>
    %jit3A = arith.constant 0 : i32
    %jit3A_138 = arith.constant 8192 : i32
    %broadcast_in_dim3A_139 = vector.broadcast %jit3A : i32 to vector<512x128xi32>
    %broadcast_in_dim3A_140 = vector.broadcast %jit3A_138 : i32 to vector<512x128xi32>
    %select_n3A_141 = arith.select %le3A_137, %broadcast_in_dim3A_139, %broadcast_in_dim3A_140 : vector<512x128xi1>, vector<512x128xi32>
    %min3A_142 = arith.minsi %broadcast_in_dim3A_135, %select_n3A_141 : vector<512x128xi32>
    %slice3A_143 = vector.extract_strided_slice %sub3A {offsets = [0, 128], sizes = [512, 128], strides = [1, 1]} : vector<512x8192xf32> to vector<512x128xf32>
    %le3A_144 = vector.broadcast %select_n3A_133 : vector<512x1xf32> to vector<512x128xf32>
    %le3A_145 = arith.cmpf ole, %slice3A_143, %le3A_144 : vector<512x128xf32>
    %jit3A_146 = arith.constant 1 : i32
    %jit3A_147 = arith.constant 8192 : i32
    %broadcast_in_dim3A_148 = vector.broadcast %jit3A_146 : i32 to vector<512x128xi32>
    %broadcast_in_dim3A_149 = vector.broadcast %jit3A_147 : i32 to vector<512x128xi32>
    %select_n3A_150 = arith.select %le3A_145, %broadcast_in_dim3A_148, %broadcast_in_dim3A_149 : vector<512x128xi1>, vector<512x128xi32>
    %min3A_151 = arith.minsi %min3A_142, %select_n3A_150 : vector<512x128xi32>
    %slice3A_152 = vector.extract_strided_slice %sub3A {offsets = [0, 256], sizes = [512, 128], strides = [1, 1]} : vector<512x8192xf32> to vector<512x128xf32>
    %le3A_153 = vector.broadcast %select_n3A_133 : vector<512x1xf32> to vector<512x128xf32>
    %le3A_154 = arith.cmpf ole, %slice3A_152, %le3A_153 : vector<512x128xf32>
    %jit3A_155 = arith.constant 2 : i32
    %jit3A_156 = arith.constant 8192 : i32
    %broadcast_in_dim3A_157 = vector.broadcast %jit3A_155 : i32 to vector<512x128xi32>
    %broadcast_in_dim3A_158 = vector.broadcast %jit3A_156 : i32 to vector<512x128xi32>
    %select_n3A_159 = arith.select %le3A_154, %broadcast_in_dim3A_157, %broadcast_in_dim3A_158 : vector<512x128xi1>, vector<512x128xi32>
    %min3A_160 = arith.minsi %min3A_151, %select_n3A_159 : vector<512x128xi32>
    %slice3A_161 = vector.extract_strided_slice %sub3A {offsets = [0, 384], sizes = [512, 128], strides = [1, 1]} : vector<512x8192xf32> to vector<512x128xf32>
    %le3A_162 = vector.broadcast %select_n3A_133 : vector<512x1xf32> to vector<512x128xf32>
    %le3A_163 = arith.cmpf ole, %slice3A_161, %le3A_162 : vector<512x128xf32>
    %jit3A_164 = arith.constant 3 : i32
    %jit3A_165 = arith.constant 8192 : i32
    %broadcast_in_dim3A_166 = vector.broadcast %jit3A_164 : i32 to vector<512x128xi32>
    %broadcast_in_dim3A_167 = vector.broadcast %jit3A_165 : i32 to vector<512x128xi32>
    %select_n3A_168 = arith.select %le3A_163, %broadcast_in_dim3A_166, %broadcast_in_dim3A_167 : vector<512x128xi1>, vector<512x128xi32>
    %min3A_169 = arith.minsi %min3A_160, %select_n3A_168 : vector<512x128xi32>
    %slice3A_170 = vector.extract_strided_slice %sub3A {offsets = [0, 512], sizes = [512, 128], strides = [1, 1]} : vector<512x8192xf32> to vector<512x128xf32>
    %le3A_171 = vector.broadcast %select_n3A_133 : vector<512x1xf32> to vector<512x128xf32>
    %le3A_172 = arith.cmpf ole, %slice3A_170, %le3A_171 : vector<512x128xf32>
    %jit3A_173 = arith.constant 4 : i32
    %jit3A_174 = arith.constant 8192 : i32
    %broadcast_in_dim3A_175 = vector.broadcast %jit3A_173 : i32 to vector<512x128xi32>
    %broadcast_in_dim3A_176 = vector.broadcast %jit3A_174 : i32 to vector<512x128xi32>
    %select_n3A_177 = arith.select %le3A_172, %broadcast_in_dim3A_175, %broadcast_in_dim3A_176 : vector<512x128xi1>, vector<512x128xi32>
    %min3A_178 = arith.minsi %min3A_169, %select_n3A_177 : vector<512x128xi32>
    %slice3A_179 = vector.extract_strided_slice %sub3A {offsets = [0, 640], sizes = [512, 128], strides = [1, 1]} : vector<512x8192xf32> to vector<512x128xf32>
    %le3A_180 = vector.broadcast %select_n3A_133 : vector<512x1xf32> to vector<512x128xf32>
    %le3A_181 = arith.cmpf ole, %slice3A_179, %le3A_180 : vector<512x128xf32>
    %jit3A_182 = arith.constant 5 : i32
    %jit3A_183 = arith.constant 8192 : i32
    %broadcast_in_dim3A_184 = vector.broadcast %jit3A_182 : i32 to vector<512x128xi32>
    %broadcast_in_dim3A_185 = vector.broadcast %jit3A_183 : i32 to vector<512x128xi32>
    %select_n3A_186 = arith.select %le3A_181, %broadcast_in_dim3A_184, %broadcast_in_dim3A_185 : vector<512x128xi1>, vector<512x128xi32>
    %min3A_187 = arith.minsi %min3A_178, %select_n3A_186 : vector<512x128xi32>
    %slice3A_188 = vector.extract_strided_slice %sub3A {offsets = [0, 768], sizes = [512, 128], strides = [1, 1]} : vector<512x8192xf32> to vector<512x128xf32>
    %le3A_189 = vector.broadcast %select_n3A_133 : vector<512x1xf32> to vector<512x128xf32>
    %le3A_190 = arith.cmpf ole, %slice3A_188, %le3A_189 : vector<512x128xf32>
    %jit3A_191 = arith.constant 6 : i32
    %jit3A_192 = arith.constant 8192 : i32
    %broadcast_in_dim3A_193 = vector.broadcast %jit3A_191 : i32 to vector<512x128xi32>
    %broadcast_in_dim3A_194 = vector.broadcast %jit3A_192 : i32 to vector<512x128xi32>
    %select_n3A_195 = arith.select %le3A_190, %broadcast_in_dim3A_193, %broadcast_in_dim3A_194 : vector<512x128xi1>, vector<512x128xi32>
    %min3A_196 = arith.minsi %min3A_187, %select_n3A_195 : vector<512x128xi32>
    %slice3A_197 = vector.extract_strided_slice %sub3A {offsets = [0, 896], sizes = [512, 128], strides = [1, 1]} : vector<512x8192xf32> to vector<512x128xf32>
    %le3A_198 = vector.broadcast %select_n3A_133 : vector<512x1xf32> to vector<512x128xf32>
    %le3A_199 = arith.cmpf ole, %slice3A_197, %le3A_198 : vector<512x128xf32>
    %jit3A_200 = arith.constant 7 : i32
    %jit3A_201 = arith.constant 8192 : i32
    %broadcast_in_dim3A_202 = vector.broadcast %jit3A_200 : i32 to vector<512x128xi32>
    %broadcast_in_dim3A_203 = vector.broadcast %jit3A_201 : i32 to vector<512x128xi32>
    %select_n3A_204 = arith.select %le3A_199, %broadcast_in_dim3A_202, %broadcast_in_dim3A_203 : vector<512x128xi1>, vector<512x128xi32>
    %min3A_205 = arith.minsi %min3A_196, %select_n3A_204 : vector<512x128xi32>
    %slice3A_206 = vector.extract_strided_slice %sub3A {offsets = [0, 1024], sizes = [512, 128], strides = [1, 1]} : vector<512x8192xf32> to vector<512x128xf32>
    %le3A_207 = vector.broadcast %select_n3A_133 : vector<512x1xf32> to vector<512x128xf32>
    %le3A_208 = arith.cmpf ole, %slice3A_206, %le3A_207 : vector<512x128xf32>
    %jit3A_209 = arith.constant 8 : i32
    %jit3A_210 = arith.constant 8192 : i32
    %broadcast_in_dim3A_211 = vector.broadcast %jit3A_209 : i32 to vector<512x128xi32>
    %broadcast_in_dim3A_212 = vector.broadcast %jit3A_210 : i32 to vector<512x128xi32>
    %select_n3A_213 = arith.select %le3A_208, %broadcast_in_dim3A_211, %broadcast_in_dim3A_212 : vector<512x128xi1>, vector<512x128xi32>
    %min3A_214 = arith.minsi %min3A_205, %select_n3A_213 : vector<512x128xi32>
    %slice3A_215 = vector.extract_strided_slice %sub3A {offsets = [0, 1152], sizes = [512, 128], strides = [1, 1]} : vector<512x8192xf32> to vector<512x128xf32>
    %le3A_216 = vector.broadcast %select_n3A_133 : vector<512x1xf32> to vector<512x128xf32>
    %le3A_217 = arith.cmpf ole, %slice3A_215, %le3A_216 : vector<512x128xf32>
    %jit3A_218 = arith.constant 9 : i32
    %jit3A_219 = arith.constant 8192 : i32
    %broadcast_in_dim3A_220 = vector.broadcast %jit3A_218 : i32 to vector<512x128xi32>
    %broadcast_in_dim3A_221 = vector.broadcast %jit3A_219 : i32 to vector<512x128xi32>
    %select_n3A_222 = arith.select %le3A_217, %broadcast_in_dim3A_220, %broadcast_in_dim3A_221 : vector<512x128xi1>, vector<512x128xi32>
    %min3A_223 = arith.minsi %min3A_214, %select_n3A_222 : vector<512x128xi32>
    %slice3A_224 = vector.extract_strided_slice %sub3A {offsets = [0, 1280], sizes = [512, 128], strides = [1, 1]} : vector<512x8192xf32> to vector<512x128xf32>
    %le3A_225 = vector.broadcast %select_n3A_133 : vector<512x1xf32> to vector<512x128xf32>
    %le3A_226 = arith.cmpf ole, %slice3A_224, %le3A_225 : vector<512x128xf32>
    %jit3A_227 = arith.constant 10 : i32
    %jit3A_228 = arith.constant 8192 : i32
    %broadcast_in_dim3A_229 = vector.broadcast %jit3A_227 : i32 to vector<512x128xi32>
    %broadcast_in_dim3A_230 = vector.broadcast %jit3A_228 : i32 to vector<512x128xi32>
    %select_n3A_231 = arith.select %le3A_226, %broadcast_in_dim3A_229, %broadcast_in_dim3A_230 : vector<512x128xi1>, vector<512x128xi32>
    %min3A_232 = arith.minsi %min3A_223, %select_n3A_231 : vector<512x128xi32>
    %slice3A_233 = vector.extract_strided_slice %sub3A {offsets = [0, 1408], sizes = [512, 128], strides = [1, 1]} : vector<512x8192xf32> to vector<512x128xf32>
    %le3A_234 = vector.broadcast %select_n3A_133 : vector<512x1xf32> to vector<512x128xf32>
    %le3A_235 = arith.cmpf ole, %slice3A_233, %le3A_234 : vector<512x128xf32>
    %jit3A_236 = arith.constant 11 : i32
    %jit3A_237 = arith.constant 8192 : i32
    %broadcast_in_dim3A_238 = vector.broadcast %jit3A_236 : i32 to vector<512x128xi32>
    %broadcast_in_dim3A_239 = vector.broadcast %jit3A_237 : i32 to vector<512x128xi32>
    %select_n3A_240 = arith.select %le3A_235, %broadcast_in_dim3A_238, %broadcast_in_dim3A_239 : vector<512x128xi1>, vector<512x128xi32>
    %min3A_241 = arith.minsi %min3A_232, %select_n3A_240 : vector<512x128xi32>
    %slice3A_242 = vector.extract_strided_slice %sub3A {offsets = [0, 1536], sizes = [512, 128], strides = [1, 1]} : vector<512x8192xf32> to vector<512x128xf32>
    %le3A_243 = vector.broadcast %select_n3A_133 : vector<512x1xf32> to vector<512x128xf32>
    %le3A_244 = arith.cmpf ole, %slice3A_242, %le3A_243 : vector<512x128xf32>
    %jit3A_245 = arith.constant 12 : i32
    %jit3A_246 = arith.constant 8192 : i32
    %broadcast_in_dim3A_247 = vector.broadcast %jit3A_245 : i32 to vector<512x128xi32>
    %broadcast_in_dim3A_248 = vector.broadcast %jit3A_246 : i32 to vector<512x128xi32>
    %select_n3A_249 = arith.select %le3A_244, %broadcast_in_dim3A_247, %broadcast_in_dim3A_248 : vector<512x128xi1>, vector<512x128xi32>
    %min3A_250 = arith.minsi %min3A_241, %select_n3A_249 : vector<512x128xi32>
    %slice3A_251 = vector.extract_strided_slice %sub3A {offsets = [0, 1664], sizes = [512, 128], strides = [1, 1]} : vector<512x8192xf32> to vector<512x128xf32>
    %le3A_252 = vector.broadcast %select_n3A_133 : vector<512x1xf32> to vector<512x128xf32>
    %le3A_253 = arith.cmpf ole, %slice3A_251, %le3A_252 : vector<512x128xf32>
    %jit3A_254 = arith.constant 13 : i32
    %jit3A_255 = arith.constant 8192 : i32
    %broadcast_in_dim3A_256 = vector.broadcast %jit3A_254 : i32 to vector<512x128xi32>
    %broadcast_in_dim3A_257 = vector.broadcast %jit3A_255 : i32 to vector<512x128xi32>
    %select_n3A_258 = arith.select %le3A_253, %broadcast_in_dim3A_256, %broadcast_in_dim3A_257 : vector<512x128xi1>, vector<512x128xi32>
    %min3A_259 = arith.minsi %min3A_250, %select_n3A_258 : vector<512x128xi32>
    %slice3A_260 = vector.extract_strided_slice %sub3A {offsets = [0, 1792], sizes = [512, 128], strides = [1, 1]} : vector<512x8192xf32> to vector<512x128xf32>
    %le3A_261 = vector.broadcast %select_n3A_133 : vector<512x1xf32> to vector<512x128xf32>
    %le3A_262 = arith.cmpf ole, %slice3A_260, %le3A_261 : vector<512x128xf32>
    %jit3A_263 = arith.constant 14 : i32
    %jit3A_264 = arith.constant 8192 : i32
    %broadcast_in_dim3A_265 = vector.broadcast %jit3A_263 : i32 to vector<512x128xi32>
    %broadcast_in_dim3A_266 = vector.broadcast %jit3A_264 : i32 to vector<512x128xi32>
    %select_n3A_267 = arith.select %le3A_262, %broadcast_in_dim3A_265, %broadcast_in_dim3A_266 : vector<512x128xi1>, vector<512x128xi32>
    %min3A_268 = arith.minsi %min3A_259, %select_n3A_267 : vector<512x128xi32>
    %slice3A_269 = vector.extract_strided_slice %sub3A {offsets = [0, 1920], sizes = [512, 128], strides = [1, 1]} : vector<512x8192xf32> to vector<512x128xf32>
    %le3A_270 = vector.broadcast %select_n3A_133 : vector<512x1xf32> to vector<512x128xf32>
    %le3A_271 = arith.cmpf ole, %slice3A_269, %le3A_270 : vector<512x128xf32>
    %jit3A_272 = arith.constant 15 : i32
    %jit3A_273 = arith.constant 8192 : i32
    %broadcast_in_dim3A_274 = vector.broadcast %jit3A_272 : i32 to vector<512x128xi32>
    %broadcast_in_dim3A_275 = vector.broadcast %jit3A_273 : i32 to vector<512x128xi32>
    %select_n3A_276 = arith.select %le3A_271, %broadcast_in_dim3A_274, %broadcast_in_dim3A_275 : vector<512x128xi1>, vector<512x128xi32>
    %min3A_277 = arith.minsi %min3A_268, %select_n3A_276 : vector<512x128xi32>
    %slice3A_278 = vector.extract_strided_slice %sub3A {offsets = [0, 2048], sizes = [512, 128], strides = [1, 1]} : vector<512x8192xf32> to vector<512x128xf32>
    %le3A_279 = vector.broadcast %select_n3A_133 : vector<512x1xf32> to vector<512x128xf32>
    %le3A_280 = arith.cmpf ole, %slice3A_278, %le3A_279 : vector<512x128xf32>
    %jit3A_281 = arith.constant 16 : i32
    %jit3A_282 = arith.constant 8192 : i32
    %broadcast_in_dim3A_283 = vector.broadcast %jit3A_281 : i32 to vector<512x128xi32>
    %broadcast_in_dim3A_284 = vector.broadcast %jit3A_282 : i32 to vector<512x128xi32>
    %select_n3A_285 = arith.select %le3A_280, %broadcast_in_dim3A_283, %broadcast_in_dim3A_284 : vector<512x128xi1>, vector<512x128xi32>
    %min3A_286 = arith.minsi %min3A_277, %select_n3A_285 : vector<512x128xi32>
    %slice3A_287 = vector.extract_strided_slice %sub3A {offsets = [0, 2176], sizes = [512, 128], strides = [1, 1]} : vector<512x8192xf32> to vector<512x128xf32>
    %le3A_288 = vector.broadcast %select_n3A_133 : vector<512x1xf32> to vector<512x128xf32>
    %le3A_289 = arith.cmpf ole, %slice3A_287, %le3A_288 : vector<512x128xf32>
    %jit3A_290 = arith.constant 17 : i32
    %jit3A_291 = arith.constant 8192 : i32
    %broadcast_in_dim3A_292 = vector.broadcast %jit3A_290 : i32 to vector<512x128xi32>
    %broadcast_in_dim3A_293 = vector.broadcast %jit3A_291 : i32 to vector<512x128xi32>
    %select_n3A_294 = arith.select %le3A_289, %broadcast_in_dim3A_292, %broadcast_in_dim3A_293 : vector<512x128xi1>, vector<512x128xi32>
    %min3A_295 = arith.minsi %min3A_286, %select_n3A_294 : vector<512x128xi32>
    %slice3A_296 = vector.extract_strided_slice %sub3A {offsets = [0, 2304], sizes = [512, 128], strides = [1, 1]} : vector<512x8192xf32> to vector<512x128xf32>
    %le3A_297 = vector.broadcast %select_n3A_133 : vector<512x1xf32> to vector<512x128xf32>
    %le3A_298 = arith.cmpf ole, %slice3A_296, %le3A_297 : vector<512x128xf32>
    %jit3A_299 = arith.constant 18 : i32
    %jit3A_300 = arith.constant 8192 : i32
    %broadcast_in_dim3A_301 = vector.broadcast %jit3A_299 : i32 to vector<512x128xi32>
    %broadcast_in_dim3A_302 = vector.broadcast %jit3A_300 : i32 to vector<512x128xi32>
    %select_n3A_303 = arith.select %le3A_298, %broadcast_in_dim3A_301, %broadcast_in_dim3A_302 : vector<512x128xi1>, vector<512x128xi32>
    %min3A_304 = arith.minsi %min3A_295, %select_n3A_303 : vector<512x128xi32>
    %slice3A_305 = vector.extract_strided_slice %sub3A {offsets = [0, 2432], sizes = [512, 128], strides = [1, 1]} : vector<512x8192xf32> to vector<512x128xf32>
    %le3A_306 = vector.broadcast %select_n3A_133 : vector<512x1xf32> to vector<512x128xf32>
    %le3A_307 = arith.cmpf ole, %slice3A_305, %le3A_306 : vector<512x128xf32>
    %jit3A_308 = arith.constant 19 : i32
    %jit3A_309 = arith.constant 8192 : i32
    %broadcast_in_dim3A_310 = vector.broadcast %jit3A_308 : i32 to vector<512x128xi32>
    %broadcast_in_dim3A_311 = vector.broadcast %jit3A_309 : i32 to vector<512x128xi32>
    %select_n3A_312 = arith.select %le3A_307, %broadcast_in_dim3A_310, %broadcast_in_dim3A_311 : vector<512x128xi1>, vector<512x128xi32>
    %min3A_313 = arith.minsi %min3A_304, %select_n3A_312 : vector<512x128xi32>
    %slice3A_314 = vector.extract_strided_slice %sub3A {offsets = [0, 2560], sizes = [512, 128], strides = [1, 1]} : vector<512x8192xf32> to vector<512x128xf32>
    %le3A_315 = vector.broadcast %select_n3A_133 : vector<512x1xf32> to vector<512x128xf32>
    %le3A_316 = arith.cmpf ole, %slice3A_314, %le3A_315 : vector<512x128xf32>
    %jit3A_317 = arith.constant 20 : i32
    %jit3A_318 = arith.constant 8192 : i32
    %broadcast_in_dim3A_319 = vector.broadcast %jit3A_317 : i32 to vector<512x128xi32>
    %broadcast_in_dim3A_320 = vector.broadcast %jit3A_318 : i32 to vector<512x128xi32>
    %select_n3A_321 = arith.select %le3A_316, %broadcast_in_dim3A_319, %broadcast_in_dim3A_320 : vector<512x128xi1>, vector<512x128xi32>
    %min3A_322 = arith.minsi %min3A_313, %select_n3A_321 : vector<512x128xi32>
    %slice3A_323 = vector.extract_strided_slice %sub3A {offsets = [0, 2688], sizes = [512, 128], strides = [1, 1]} : vector<512x8192xf32> to vector<512x128xf32>
    %le3A_324 = vector.broadcast %select_n3A_133 : vector<512x1xf32> to vector<512x128xf32>
    %le3A_325 = arith.cmpf ole, %slice3A_323, %le3A_324 : vector<512x128xf32>
    %jit3A_326 = arith.constant 21 : i32
    %jit3A_327 = arith.constant 8192 : i32
    %broadcast_in_dim3A_328 = vector.broadcast %jit3A_326 : i32 to vector<512x128xi32>
    %broadcast_in_dim3A_329 = vector.broadcast %jit3A_327 : i32 to vector<512x128xi32>
    %select_n3A_330 = arith.select %le3A_325, %broadcast_in_dim3A_328, %broadcast_in_dim3A_329 : vector<512x128xi1>, vector<512x128xi32>
    %min3A_331 = arith.minsi %min3A_322, %select_n3A_330 : vector<512x128xi32>
    %slice3A_332 = vector.extract_strided_slice %sub3A {offsets = [0, 2816], sizes = [512, 128], strides = [1, 1]} : vector<512x8192xf32> to vector<512x128xf32>
    %le3A_333 = vector.broadcast %select_n3A_133 : vector<512x1xf32> to vector<512x128xf32>
    %le3A_334 = arith.cmpf ole, %slice3A_332, %le3A_333 : vector<512x128xf32>
    %jit3A_335 = arith.constant 22 : i32
    %jit3A_336 = arith.constant 8192 : i32
    %broadcast_in_dim3A_337 = vector.broadcast %jit3A_335 : i32 to vector<512x128xi32>
    %broadcast_in_dim3A_338 = vector.broadcast %jit3A_336 : i32 to vector<512x128xi32>
    %select_n3A_339 = arith.select %le3A_334, %broadcast_in_dim3A_337, %broadcast_in_dim3A_338 : vector<512x128xi1>, vector<512x128xi32>
    %min3A_340 = arith.minsi %min3A_331, %select_n3A_339 : vector<512x128xi32>
    %slice3A_341 = vector.extract_strided_slice %sub3A {offsets = [0, 2944], sizes = [512, 128], strides = [1, 1]} : vector<512x8192xf32> to vector<512x128xf32>
    %le3A_342 = vector.broadcast %select_n3A_133 : vector<512x1xf32> to vector<512x128xf32>
    %le3A_343 = arith.cmpf ole, %slice3A_341, %le3A_342 : vector<512x128xf32>
    %jit3A_344 = arith.constant 23 : i32
    %jit3A_345 = arith.constant 8192 : i32
    %broadcast_in_dim3A_346 = vector.broadcast %jit3A_344 : i32 to vector<512x128xi32>
    %broadcast_in_dim3A_347 = vector.broadcast %jit3A_345 : i32 to vector<512x128xi32>
    %select_n3A_348 = arith.select %le3A_343, %broadcast_in_dim3A_346, %broadcast_in_dim3A_347 : vector<512x128xi1>, vector<512x128xi32>
    %min3A_349 = arith.minsi %min3A_340, %select_n3A_348 : vector<512x128xi32>
    %slice3A_350 = vector.extract_strided_slice %sub3A {offsets = [0, 3072], sizes = [512, 128], strides = [1, 1]} : vector<512x8192xf32> to vector<512x128xf32>
    %le3A_351 = vector.broadcast %select_n3A_133 : vector<512x1xf32> to vector<512x128xf32>
    %le3A_352 = arith.cmpf ole, %slice3A_350, %le3A_351 : vector<512x128xf32>
    %jit3A_353 = arith.constant 24 : i32
    %jit3A_354 = arith.constant 8192 : i32
    %broadcast_in_dim3A_355 = vector.broadcast %jit3A_353 : i32 to vector<512x128xi32>
    %broadcast_in_dim3A_356 = vector.broadcast %jit3A_354 : i32 to vector<512x128xi32>
    %select_n3A_357 = arith.select %le3A_352, %broadcast_in_dim3A_355, %broadcast_in_dim3A_356 : vector<512x128xi1>, vector<512x128xi32>
    %min3A_358 = arith.minsi %min3A_349, %select_n3A_357 : vector<512x128xi32>
    %slice3A_359 = vector.extract_strided_slice %sub3A {offsets = [0, 3200], sizes = [512, 128], strides = [1, 1]} : vector<512x8192xf32> to vector<512x128xf32>
    %le3A_360 = vector.broadcast %select_n3A_133 : vector<512x1xf32> to vector<512x128xf32>
    %le3A_361 = arith.cmpf ole, %slice3A_359, %le3A_360 : vector<512x128xf32>
    %jit3A_362 = arith.constant 25 : i32
    %jit3A_363 = arith.constant 8192 : i32
    %broadcast_in_dim3A_364 = vector.broadcast %jit3A_362 : i32 to vector<512x128xi32>
    %broadcast_in_dim3A_365 = vector.broadcast %jit3A_363 : i32 to vector<512x128xi32>
    %select_n3A_366 = arith.select %le3A_361, %broadcast_in_dim3A_364, %broadcast_in_dim3A_365 : vector<512x128xi1>, vector<512x128xi32>
    %min3A_367 = arith.minsi %min3A_358, %select_n3A_366 : vector<512x128xi32>
    %slice3A_368 = vector.extract_strided_slice %sub3A {offsets = [0, 3328], sizes = [512, 128], strides = [1, 1]} : vector<512x8192xf32> to vector<512x128xf32>
    %le3A_369 = vector.broadcast %select_n3A_133 : vector<512x1xf32> to vector<512x128xf32>
    %le3A_370 = arith.cmpf ole, %slice3A_368, %le3A_369 : vector<512x128xf32>
    %jit3A_371 = arith.constant 26 : i32
    %jit3A_372 = arith.constant 8192 : i32
    %broadcast_in_dim3A_373 = vector.broadcast %jit3A_371 : i32 to vector<512x128xi32>
    %broadcast_in_dim3A_374 = vector.broadcast %jit3A_372 : i32 to vector<512x128xi32>
    %select_n3A_375 = arith.select %le3A_370, %broadcast_in_dim3A_373, %broadcast_in_dim3A_374 : vector<512x128xi1>, vector<512x128xi32>
    %min3A_376 = arith.minsi %min3A_367, %select_n3A_375 : vector<512x128xi32>
    %slice3A_377 = vector.extract_strided_slice %sub3A {offsets = [0, 3456], sizes = [512, 128], strides = [1, 1]} : vector<512x8192xf32> to vector<512x128xf32>
    %le3A_378 = vector.broadcast %select_n3A_133 : vector<512x1xf32> to vector<512x128xf32>
    %le3A_379 = arith.cmpf ole, %slice3A_377, %le3A_378 : vector<512x128xf32>
    %jit3A_380 = arith.constant 27 : i32
    %jit3A_381 = arith.constant 8192 : i32
    %broadcast_in_dim3A_382 = vector.broadcast %jit3A_380 : i32 to vector<512x128xi32>
    %broadcast_in_dim3A_383 = vector.broadcast %jit3A_381 : i32 to vector<512x128xi32>
    %select_n3A_384 = arith.select %le3A_379, %broadcast_in_dim3A_382, %broadcast_in_dim3A_383 : vector<512x128xi1>, vector<512x128xi32>
    %min3A_385 = arith.minsi %min3A_376, %select_n3A_384 : vector<512x128xi32>
    %slice3A_386 = vector.extract_strided_slice %sub3A {offsets = [0, 3584], sizes = [512, 128], strides = [1, 1]} : vector<512x8192xf32> to vector<512x128xf32>
    %le3A_387 = vector.broadcast %select_n3A_133 : vector<512x1xf32> to vector<512x128xf32>
    %le3A_388 = arith.cmpf ole, %slice3A_386, %le3A_387 : vector<512x128xf32>
    %jit3A_389 = arith.constant 28 : i32
    %jit3A_390 = arith.constant 8192 : i32
    %broadcast_in_dim3A_391 = vector.broadcast %jit3A_389 : i32 to vector<512x128xi32>
    %broadcast_in_dim3A_392 = vector.broadcast %jit3A_390 : i32 to vector<512x128xi32>
    %select_n3A_393 = arith.select %le3A_388, %broadcast_in_dim3A_391, %broadcast_in_dim3A_392 : vector<512x128xi1>, vector<512x128xi32>
    %min3A_394 = arith.minsi %min3A_385, %select_n3A_393 : vector<512x128xi32>
    %slice3A_395 = vector.extract_strided_slice %sub3A {offsets = [0, 3712], sizes = [512, 128], strides = [1, 1]} : vector<512x8192xf32> to vector<512x128xf32>
    %le3A_396 = vector.broadcast %select_n3A_133 : vector<512x1xf32> to vector<512x128xf32>
    %le3A_397 = arith.cmpf ole, %slice3A_395, %le3A_396 : vector<512x128xf32>
    %jit3A_398 = arith.constant 29 : i32
    %jit3A_399 = arith.constant 8192 : i32
    %broadcast_in_dim3A_400 = vector.broadcast %jit3A_398 : i32 to vector<512x128xi32>
    %broadcast_in_dim3A_401 = vector.broadcast %jit3A_399 : i32 to vector<512x128xi32>
    %select_n3A_402 = arith.select %le3A_397, %broadcast_in_dim3A_400, %broadcast_in_dim3A_401 : vector<512x128xi1>, vector<512x128xi32>
    %min3A_403 = arith.minsi %min3A_394, %select_n3A_402 : vector<512x128xi32>
    %slice3A_404 = vector.extract_strided_slice %sub3A {offsets = [0, 3840], sizes = [512, 128], strides = [1, 1]} : vector<512x8192xf32> to vector<512x128xf32>
    %le3A_405 = vector.broadcast %select_n3A_133 : vector<512x1xf32> to vector<512x128xf32>
    %le3A_406 = arith.cmpf ole, %slice3A_404, %le3A_405 : vector<512x128xf32>
    %jit3A_407 = arith.constant 30 : i32
    %jit3A_408 = arith.constant 8192 : i32
    %broadcast_in_dim3A_409 = vector.broadcast %jit3A_407 : i32 to vector<512x128xi32>
    %broadcast_in_dim3A_410 = vector.broadcast %jit3A_408 : i32 to vector<512x128xi32>
    %select_n3A_411 = arith.select %le3A_406, %broadcast_in_dim3A_409, %broadcast_in_dim3A_410 : vector<512x128xi1>, vector<512x128xi32>
    %min3A_412 = arith.minsi %min3A_403, %select_n3A_411 : vector<512x128xi32>
    %slice3A_413 = vector.extract_strided_slice %sub3A {offsets = [0, 3968], sizes = [512, 128], strides = [1, 1]} : vector<512x8192xf32> to vector<512x128xf32>
    %le3A_414 = vector.broadcast %select_n3A_133 : vector<512x1xf32> to vector<512x128xf32>
    %le3A_415 = arith.cmpf ole, %slice3A_413, %le3A_414 : vector<512x128xf32>
    %jit3A_416 = arith.constant 31 : i32
    %jit3A_417 = arith.constant 8192 : i32
    %broadcast_in_dim3A_418 = vector.broadcast %jit3A_416 : i32 to vector<512x128xi32>
    %broadcast_in_dim3A_419 = vector.broadcast %jit3A_417 : i32 to vector<512x128xi32>
    %select_n3A_420 = arith.select %le3A_415, %broadcast_in_dim3A_418, %broadcast_in_dim3A_419 : vector<512x128xi1>, vector<512x128xi32>
    %min3A_421 = arith.minsi %min3A_412, %select_n3A_420 : vector<512x128xi32>
    %mul3A_422 = arith.constant 128 : i32
    %mul3A_423 = vector.broadcast %mul3A_422 : i32 to vector<512x128xi32>
    %mul3A_424 = arith.muli %min3A_421, %mul3A_423 : vector<512x128xi32>
    %iota3A = tpu.iota {dimensions = array<i32: 1>} : vector<512x128xi32>
    %add3A_425 = arith.addi %mul3A_424, %iota3A : vector<512x128xi32>
    %reduce_min3A_426 = arith.constant dense<2147483647> : vector<512xi32>
    %reduce_min3A_427 = vector.multi_reduction <minsi>, %add3A_425, %reduce_min3A_426 [1] : vector<512x128xi32> to vector<512xi32>
    %squeeze3A = vector.shape_cast %sqrt3A : vector<512x1xf32> to vector<512xf32>
    %slice3A_428 = vector.extract_strided_slice %sub3A {offsets = [0, 4096], sizes = [512, 128], strides = [1, 1]} : vector<512x8192xf32> to vector<512x128xf32>
    %slice3A_429 = vector.extract_strided_slice %sub3A {offsets = [0, 4224], sizes = [512, 128], strides = [1, 1]} : vector<512x8192xf32> to vector<512x128xf32>
    %min3A_430 = arith.minimumf %slice3A_428, %slice3A_429 : vector<512x128xf32>
    %slice3A_431 = vector.extract_strided_slice %sub3A {offsets = [0, 4352], sizes = [512, 128], strides = [1, 1]} : vector<512x8192xf32> to vector<512x128xf32>
    %min3A_432 = arith.minimumf %min3A_430, %slice3A_431 : vector<512x128xf32>
    %slice3A_433 = vector.extract_strided_slice %sub3A {offsets = [0, 4480], sizes = [512, 128], strides = [1, 1]} : vector<512x8192xf32> to vector<512x128xf32>
    %min3A_434 = arith.minimumf %min3A_432, %slice3A_433 : vector<512x128xf32>
    %slice3A_435 = vector.extract_strided_slice %sub3A {offsets = [0, 4608], sizes = [512, 128], strides = [1, 1]} : vector<512x8192xf32> to vector<512x128xf32>
    %min3A_436 = arith.minimumf %min3A_434, %slice3A_435 : vector<512x128xf32>
    %slice3A_437 = vector.extract_strided_slice %sub3A {offsets = [0, 4736], sizes = [512, 128], strides = [1, 1]} : vector<512x8192xf32> to vector<512x128xf32>
    %min3A_438 = arith.minimumf %min3A_436, %slice3A_437 : vector<512x128xf32>
    %slice3A_439 = vector.extract_strided_slice %sub3A {offsets = [0, 4864], sizes = [512, 128], strides = [1, 1]} : vector<512x8192xf32> to vector<512x128xf32>
    %min3A_440 = arith.minimumf %min3A_438, %slice3A_439 : vector<512x128xf32>
    %slice3A_441 = vector.extract_strided_slice %sub3A {offsets = [0, 4992], sizes = [512, 128], strides = [1, 1]} : vector<512x8192xf32> to vector<512x128xf32>
    %min3A_442 = arith.minimumf %min3A_440, %slice3A_441 : vector<512x128xf32>
    %slice3A_443 = vector.extract_strided_slice %sub3A {offsets = [0, 5120], sizes = [512, 128], strides = [1, 1]} : vector<512x8192xf32> to vector<512x128xf32>
    %min3A_444 = arith.minimumf %min3A_442, %slice3A_443 : vector<512x128xf32>
    %slice3A_445 = vector.extract_strided_slice %sub3A {offsets = [0, 5248], sizes = [512, 128], strides = [1, 1]} : vector<512x8192xf32> to vector<512x128xf32>
    %min3A_446 = arith.minimumf %min3A_444, %slice3A_445 : vector<512x128xf32>
    %slice3A_447 = vector.extract_strided_slice %sub3A {offsets = [0, 5376], sizes = [512, 128], strides = [1, 1]} : vector<512x8192xf32> to vector<512x128xf32>
    %min3A_448 = arith.minimumf %min3A_446, %slice3A_447 : vector<512x128xf32>
    %slice3A_449 = vector.extract_strided_slice %sub3A {offsets = [0, 5504], sizes = [512, 128], strides = [1, 1]} : vector<512x8192xf32> to vector<512x128xf32>
    %min3A_450 = arith.minimumf %min3A_448, %slice3A_449 : vector<512x128xf32>
    %slice3A_451 = vector.extract_strided_slice %sub3A {offsets = [0, 5632], sizes = [512, 128], strides = [1, 1]} : vector<512x8192xf32> to vector<512x128xf32>
    %min3A_452 = arith.minimumf %min3A_450, %slice3A_451 : vector<512x128xf32>
    %slice3A_453 = vector.extract_strided_slice %sub3A {offsets = [0, 5760], sizes = [512, 128], strides = [1, 1]} : vector<512x8192xf32> to vector<512x128xf32>
    %min3A_454 = arith.minimumf %min3A_452, %slice3A_453 : vector<512x128xf32>
    %slice3A_455 = vector.extract_strided_slice %sub3A {offsets = [0, 5888], sizes = [512, 128], strides = [1, 1]} : vector<512x8192xf32> to vector<512x128xf32>
    %min3A_456 = arith.minimumf %min3A_454, %slice3A_455 : vector<512x128xf32>
    %slice3A_457 = vector.extract_strided_slice %sub3A {offsets = [0, 6016], sizes = [512, 128], strides = [1, 1]} : vector<512x8192xf32> to vector<512x128xf32>
    %min3A_458 = arith.minimumf %min3A_456, %slice3A_457 : vector<512x128xf32>
    %slice3A_459 = vector.extract_strided_slice %sub3A {offsets = [0, 6144], sizes = [512, 128], strides = [1, 1]} : vector<512x8192xf32> to vector<512x128xf32>
    %min3A_460 = arith.minimumf %min3A_458, %slice3A_459 : vector<512x128xf32>
    %slice3A_461 = vector.extract_strided_slice %sub3A {offsets = [0, 6272], sizes = [512, 128], strides = [1, 1]} : vector<512x8192xf32> to vector<512x128xf32>
    %min3A_462 = arith.minimumf %min3A_460, %slice3A_461 : vector<512x128xf32>
    %slice3A_463 = vector.extract_strided_slice %sub3A {offsets = [0, 6400], sizes = [512, 128], strides = [1, 1]} : vector<512x8192xf32> to vector<512x128xf32>
    %min3A_464 = arith.minimumf %min3A_462, %slice3A_463 : vector<512x128xf32>
    %slice3A_465 = vector.extract_strided_slice %sub3A {offsets = [0, 6528], sizes = [512, 128], strides = [1, 1]} : vector<512x8192xf32> to vector<512x128xf32>
    %min3A_466 = arith.minimumf %min3A_464, %slice3A_465 : vector<512x128xf32>
    %slice3A_467 = vector.extract_strided_slice %sub3A {offsets = [0, 6656], sizes = [512, 128], strides = [1, 1]} : vector<512x8192xf32> to vector<512x128xf32>
    %min3A_468 = arith.minimumf %min3A_466, %slice3A_467 : vector<512x128xf32>
    %slice3A_469 = vector.extract_strided_slice %sub3A {offsets = [0, 6784], sizes = [512, 128], strides = [1, 1]} : vector<512x8192xf32> to vector<512x128xf32>
    %min3A_470 = arith.minimumf %min3A_468, %slice3A_469 : vector<512x128xf32>
    %slice3A_471 = vector.extract_strided_slice %sub3A {offsets = [0, 6912], sizes = [512, 128], strides = [1, 1]} : vector<512x8192xf32> to vector<512x128xf32>
    %min3A_472 = arith.minimumf %min3A_470, %slice3A_471 : vector<512x128xf32>
    %slice3A_473 = vector.extract_strided_slice %sub3A {offsets = [0, 7040], sizes = [512, 128], strides = [1, 1]} : vector<512x8192xf32> to vector<512x128xf32>
    %min3A_474 = arith.minimumf %min3A_472, %slice3A_473 : vector<512x128xf32>
    %slice3A_475 = vector.extract_strided_slice %sub3A {offsets = [0, 7168], sizes = [512, 128], strides = [1, 1]} : vector<512x8192xf32> to vector<512x128xf32>
    %min3A_476 = arith.minimumf %min3A_474, %slice3A_475 : vector<512x128xf32>
    %slice3A_477 = vector.extract_strided_slice %sub3A {offsets = [0, 7296], sizes = [512, 128], strides = [1, 1]} : vector<512x8192xf32> to vector<512x128xf32>
    %min3A_478 = arith.minimumf %min3A_476, %slice3A_477 : vector<512x128xf32>
    %slice3A_479 = vector.extract_strided_slice %sub3A {offsets = [0, 7424], sizes = [512, 128], strides = [1, 1]} : vector<512x8192xf32> to vector<512x128xf32>
    %min3A_480 = arith.minimumf %min3A_478, %slice3A_479 : vector<512x128xf32>
    %slice3A_481 = vector.extract_strided_slice %sub3A {offsets = [0, 7552], sizes = [512, 128], strides = [1, 1]} : vector<512x8192xf32> to vector<512x128xf32>
    %min3A_482 = arith.minimumf %min3A_480, %slice3A_481 : vector<512x128xf32>
    %slice3A_483 = vector.extract_strided_slice %sub3A {offsets = [0, 7680], sizes = [512, 128], strides = [1, 1]} : vector<512x8192xf32> to vector<512x128xf32>
    %min3A_484 = arith.minimumf %min3A_482, %slice3A_483 : vector<512x128xf32>
    %slice3A_485 = vector.extract_strided_slice %sub3A {offsets = [0, 7808], sizes = [512, 128], strides = [1, 1]} : vector<512x8192xf32> to vector<512x128xf32>
    %min3A_486 = arith.minimumf %min3A_484, %slice3A_485 : vector<512x128xf32>
    %slice3A_487 = vector.extract_strided_slice %sub3A {offsets = [0, 7936], sizes = [512, 128], strides = [1, 1]} : vector<512x8192xf32> to vector<512x128xf32>
    %min3A_488 = arith.minimumf %min3A_486, %slice3A_487 : vector<512x128xf32>
    %slice3A_489 = vector.extract_strided_slice %sub3A {offsets = [0, 8064], sizes = [512, 128], strides = [1, 1]} : vector<512x8192xf32> to vector<512x128xf32>
    %min3A_490 = arith.minimumf %min3A_488, %slice3A_489 : vector<512x128xf32>
    %reduce_min3A_491 = arith.constant dense<0x7F800000> : vector<512xf32>
    %reduce_min3A_492 = vector.multi_reduction <minimumf>, %min3A_490, %reduce_min3A_491 [1] : vector<512x128xf32> to vector<512xf32>
    %broadcast_in_dim3A_493 = vector.shape_cast %reduce_min3A_492 : vector<512xf32> to vector<512x1xf32>
    %max3A_494 = arith.constant 0.000000e+00 : f32
    %max3A_495 = vector.broadcast %max3A_494 : f32 to vector<512x1xf32>
    %max3A_496 = arith.maximumf %broadcast_in_dim3A_493, %max3A_495 : vector<512x1xf32>
    %sqrt3A_497 = math.sqrt %max3A_496 : vector<512x1xf32>
    %mul3A_498 = arith.mulf %sqrt3A_497, %sqrt3A_497 : vector<512x1xf32>
    %bitcast_convert_type3A_499 = tpu.bitcast %mul3A_498 : vector<512x1xf32> -> vector<512x1xi32>
    %add3A_500 = arith.constant -1 : i32
    %add3A_501 = vector.broadcast %add3A_500 : i32 to vector<512x1xi32>
    %add3A_502 = arith.addi %bitcast_convert_type3A_499, %add3A_501 : vector<512x1xi32>
    %max3A_503 = arith.constant 0 : i32
    %max3A_504 = vector.broadcast %max3A_503 : i32 to vector<512x1xi32>
    %max3A_505 = arith.maxsi %add3A_502, %max3A_504 : vector<512x1xi32>
    %bitcast_convert_type3A_506 = tpu.bitcast %max3A_505 : vector<512x1xi32> -> vector<512x1xf32>
    %sqrt3A_507 = math.sqrt %bitcast_convert_type3A_506 : vector<512x1xf32>
    %eq3A_508 = arith.cmpf oeq, %sqrt3A_507, %sqrt3A_497 : vector<512x1xf32>
    %gt3A_509 = arith.cmpf ogt, %bitcast_convert_type3A_506, %max3A_496 : vector<512x1xf32>
    %and3A_510 = arith.andi %eq3A_508, %gt3A_509 : vector<512x1xi1>
    %select_n3A_511 = arith.select %and3A_510, %bitcast_convert_type3A_506, %max3A_496 : vector<512x1xi1>, vector<512x1xf32>
    %add3A_512 = arith.constant 0 : i32
    %add3A_513 = vector.broadcast %add3A_512 : i32 to vector<512x1xi32>
    %add3A_514 = arith.addi %bitcast_convert_type3A_499, %add3A_513 : vector<512x1xi32>
    %max3A_515 = arith.constant 0 : i32
    %max3A_516 = vector.broadcast %max3A_515 : i32 to vector<512x1xi32>
    %max3A_517 = arith.maxsi %add3A_514, %max3A_516 : vector<512x1xi32>
    %bitcast_convert_type3A_518 = tpu.bitcast %max3A_517 : vector<512x1xi32> -> vector<512x1xf32>
    %sqrt3A_519 = math.sqrt %bitcast_convert_type3A_518 : vector<512x1xf32>
    %eq3A_520 = arith.cmpf oeq, %sqrt3A_519, %sqrt3A_497 : vector<512x1xf32>
    %gt3A_521 = arith.cmpf ogt, %bitcast_convert_type3A_518, %select_n3A_511 : vector<512x1xf32>
    %and3A_522 = arith.andi %eq3A_520, %gt3A_521 : vector<512x1xi1>
    %select_n3A_523 = arith.select %and3A_522, %bitcast_convert_type3A_518, %select_n3A_511 : vector<512x1xi1>, vector<512x1xf32>
    %add3A_524 = arith.constant 1 : i32
    %add3A_525 = vector.broadcast %add3A_524 : i32 to vector<512x1xi32>
    %add3A_526 = arith.addi %bitcast_convert_type3A_499, %add3A_525 : vector<512x1xi32>
    %max3A_527 = arith.constant 0 : i32
    %max3A_528 = vector.broadcast %max3A_527 : i32 to vector<512x1xi32>
    %max3A_529 = arith.maxsi %add3A_526, %max3A_528 : vector<512x1xi32>
    %bitcast_convert_type3A_530 = tpu.bitcast %max3A_529 : vector<512x1xi32> -> vector<512x1xf32>
    %sqrt3A_531 = math.sqrt %bitcast_convert_type3A_530 : vector<512x1xf32>
    %eq3A_532 = arith.cmpf oeq, %sqrt3A_531, %sqrt3A_497 : vector<512x1xf32>
    %gt3A_533 = arith.cmpf ogt, %bitcast_convert_type3A_530, %select_n3A_523 : vector<512x1xf32>
    %and3A_534 = arith.andi %eq3A_532, %gt3A_533 : vector<512x1xi1>
    %select_n3A_535 = arith.select %and3A_534, %bitcast_convert_type3A_530, %select_n3A_523 : vector<512x1xi1>, vector<512x1xf32>
    %add3A_536 = arith.constant 2 : i32
    %add3A_537 = vector.broadcast %add3A_536 : i32 to vector<512x1xi32>
    %add3A_538 = arith.addi %bitcast_convert_type3A_499, %add3A_537 : vector<512x1xi32>
    %max3A_539 = arith.constant 0 : i32
    %max3A_540 = vector.broadcast %max3A_539 : i32 to vector<512x1xi32>
    %max3A_541 = arith.maxsi %add3A_538, %max3A_540 : vector<512x1xi32>
    %bitcast_convert_type3A_542 = tpu.bitcast %max3A_541 : vector<512x1xi32> -> vector<512x1xf32>
    %sqrt3A_543 = math.sqrt %bitcast_convert_type3A_542 : vector<512x1xf32>
    %eq3A_544 = arith.cmpf oeq, %sqrt3A_543, %sqrt3A_497 : vector<512x1xf32>
    %gt3A_545 = arith.cmpf ogt, %bitcast_convert_type3A_542, %select_n3A_535 : vector<512x1xf32>
    %and3A_546 = arith.andi %eq3A_544, %gt3A_545 : vector<512x1xi1>
    %select_n3A_547 = arith.select %and3A_546, %bitcast_convert_type3A_542, %select_n3A_535 : vector<512x1xi1>, vector<512x1xf32>
    %add3A_548 = arith.constant 3 : i32
    %add3A_549 = vector.broadcast %add3A_548 : i32 to vector<512x1xi32>
    %add3A_550 = arith.addi %bitcast_convert_type3A_499, %add3A_549 : vector<512x1xi32>
    %max3A_551 = arith.constant 0 : i32
    %max3A_552 = vector.broadcast %max3A_551 : i32 to vector<512x1xi32>
    %max3A_553 = arith.maxsi %add3A_550, %max3A_552 : vector<512x1xi32>
    %bitcast_convert_type3A_554 = tpu.bitcast %max3A_553 : vector<512x1xi32> -> vector<512x1xf32>
    %sqrt3A_555 = math.sqrt %bitcast_convert_type3A_554 : vector<512x1xf32>
    %eq3A_556 = arith.cmpf oeq, %sqrt3A_555, %sqrt3A_497 : vector<512x1xf32>
    %gt3A_557 = arith.cmpf ogt, %bitcast_convert_type3A_554, %select_n3A_547 : vector<512x1xf32>
    %and3A_558 = arith.andi %eq3A_556, %gt3A_557 : vector<512x1xi1>
    %select_n3A_559 = arith.select %and3A_558, %bitcast_convert_type3A_554, %select_n3A_547 : vector<512x1xi1>, vector<512x1xf32>
    %broadcast_in_dim3A_560 = arith.constant 8192 : i32
    %broadcast_in_dim3A_561 = vector.broadcast %broadcast_in_dim3A_560 : i32 to vector<512x128xi32>
    %slice3A_562 = vector.extract_strided_slice %sub3A {offsets = [0, 4096], sizes = [512, 128], strides = [1, 1]} : vector<512x8192xf32> to vector<512x128xf32>
    %le3A_563 = vector.broadcast %select_n3A_559 : vector<512x1xf32> to vector<512x128xf32>
    %le3A_564 = arith.cmpf ole, %slice3A_562, %le3A_563 : vector<512x128xf32>
    %jit3A_565 = arith.constant 0 : i32
    %jit3A_566 = arith.constant 8192 : i32
    %broadcast_in_dim3A_567 = vector.broadcast %jit3A_565 : i32 to vector<512x128xi32>
    %broadcast_in_dim3A_568 = vector.broadcast %jit3A_566 : i32 to vector<512x128xi32>
    %select_n3A_569 = arith.select %le3A_564, %broadcast_in_dim3A_567, %broadcast_in_dim3A_568 : vector<512x128xi1>, vector<512x128xi32>
    %min3A_570 = arith.minsi %broadcast_in_dim3A_561, %select_n3A_569 : vector<512x128xi32>
    %slice3A_571 = vector.extract_strided_slice %sub3A {offsets = [0, 4224], sizes = [512, 128], strides = [1, 1]} : vector<512x8192xf32> to vector<512x128xf32>
    %le3A_572 = vector.broadcast %select_n3A_559 : vector<512x1xf32> to vector<512x128xf32>
    %le3A_573 = arith.cmpf ole, %slice3A_571, %le3A_572 : vector<512x128xf32>
    %jit3A_574 = arith.constant 1 : i32
    %jit3A_575 = arith.constant 8192 : i32
    %broadcast_in_dim3A_576 = vector.broadcast %jit3A_574 : i32 to vector<512x128xi32>
    %broadcast_in_dim3A_577 = vector.broadcast %jit3A_575 : i32 to vector<512x128xi32>
    %select_n3A_578 = arith.select %le3A_573, %broadcast_in_dim3A_576, %broadcast_in_dim3A_577 : vector<512x128xi1>, vector<512x128xi32>
    %min3A_579 = arith.minsi %min3A_570, %select_n3A_578 : vector<512x128xi32>
    %slice3A_580 = vector.extract_strided_slice %sub3A {offsets = [0, 4352], sizes = [512, 128], strides = [1, 1]} : vector<512x8192xf32> to vector<512x128xf32>
    %le3A_581 = vector.broadcast %select_n3A_559 : vector<512x1xf32> to vector<512x128xf32>
    %le3A_582 = arith.cmpf ole, %slice3A_580, %le3A_581 : vector<512x128xf32>
    %jit3A_583 = arith.constant 2 : i32
    %jit3A_584 = arith.constant 8192 : i32
    %broadcast_in_dim3A_585 = vector.broadcast %jit3A_583 : i32 to vector<512x128xi32>
    %broadcast_in_dim3A_586 = vector.broadcast %jit3A_584 : i32 to vector<512x128xi32>
    %select_n3A_587 = arith.select %le3A_582, %broadcast_in_dim3A_585, %broadcast_in_dim3A_586 : vector<512x128xi1>, vector<512x128xi32>
    %min3A_588 = arith.minsi %min3A_579, %select_n3A_587 : vector<512x128xi32>
    %slice3A_589 = vector.extract_strided_slice %sub3A {offsets = [0, 4480], sizes = [512, 128], strides = [1, 1]} : vector<512x8192xf32> to vector<512x128xf32>
    %le3A_590 = vector.broadcast %select_n3A_559 : vector<512x1xf32> to vector<512x128xf32>
    %le3A_591 = arith.cmpf ole, %slice3A_589, %le3A_590 : vector<512x128xf32>
    %jit3A_592 = arith.constant 3 : i32
    %jit3A_593 = arith.constant 8192 : i32
    %broadcast_in_dim3A_594 = vector.broadcast %jit3A_592 : i32 to vector<512x128xi32>
    %broadcast_in_dim3A_595 = vector.broadcast %jit3A_593 : i32 to vector<512x128xi32>
    %select_n3A_596 = arith.select %le3A_591, %broadcast_in_dim3A_594, %broadcast_in_dim3A_595 : vector<512x128xi1>, vector<512x128xi32>
    %min3A_597 = arith.minsi %min3A_588, %select_n3A_596 : vector<512x128xi32>
    %slice3A_598 = vector.extract_strided_slice %sub3A {offsets = [0, 4608], sizes = [512, 128], strides = [1, 1]} : vector<512x8192xf32> to vector<512x128xf32>
    %le3A_599 = vector.broadcast %select_n3A_559 : vector<512x1xf32> to vector<512x128xf32>
    %le3A_600 = arith.cmpf ole, %slice3A_598, %le3A_599 : vector<512x128xf32>
    %jit3A_601 = arith.constant 4 : i32
    %jit3A_602 = arith.constant 8192 : i32
    %broadcast_in_dim3A_603 = vector.broadcast %jit3A_601 : i32 to vector<512x128xi32>
    %broadcast_in_dim3A_604 = vector.broadcast %jit3A_602 : i32 to vector<512x128xi32>
    %select_n3A_605 = arith.select %le3A_600, %broadcast_in_dim3A_603, %broadcast_in_dim3A_604 : vector<512x128xi1>, vector<512x128xi32>
    %min3A_606 = arith.minsi %min3A_597, %select_n3A_605 : vector<512x128xi32>
    %slice3A_607 = vector.extract_strided_slice %sub3A {offsets = [0, 4736], sizes = [512, 128], strides = [1, 1]} : vector<512x8192xf32> to vector<512x128xf32>
    %le3A_608 = vector.broadcast %select_n3A_559 : vector<512x1xf32> to vector<512x128xf32>
    %le3A_609 = arith.cmpf ole, %slice3A_607, %le3A_608 : vector<512x128xf32>
    %jit3A_610 = arith.constant 5 : i32
    %jit3A_611 = arith.constant 8192 : i32
    %broadcast_in_dim3A_612 = vector.broadcast %jit3A_610 : i32 to vector<512x128xi32>
    %broadcast_in_dim3A_613 = vector.broadcast %jit3A_611 : i32 to vector<512x128xi32>
    %select_n3A_614 = arith.select %le3A_609, %broadcast_in_dim3A_612, %broadcast_in_dim3A_613 : vector<512x128xi1>, vector<512x128xi32>
    %min3A_615 = arith.minsi %min3A_606, %select_n3A_614 : vector<512x128xi32>
    %slice3A_616 = vector.extract_strided_slice %sub3A {offsets = [0, 4864], sizes = [512, 128], strides = [1, 1]} : vector<512x8192xf32> to vector<512x128xf32>
    %le3A_617 = vector.broadcast %select_n3A_559 : vector<512x1xf32> to vector<512x128xf32>
    %le3A_618 = arith.cmpf ole, %slice3A_616, %le3A_617 : vector<512x128xf32>
    %jit3A_619 = arith.constant 6 : i32
    %jit3A_620 = arith.constant 8192 : i32
    %broadcast_in_dim3A_621 = vector.broadcast %jit3A_619 : i32 to vector<512x128xi32>
    %broadcast_in_dim3A_622 = vector.broadcast %jit3A_620 : i32 to vector<512x128xi32>
    %select_n3A_623 = arith.select %le3A_618, %broadcast_in_dim3A_621, %broadcast_in_dim3A_622 : vector<512x128xi1>, vector<512x128xi32>
    %min3A_624 = arith.minsi %min3A_615, %select_n3A_623 : vector<512x128xi32>
    %slice3A_625 = vector.extract_strided_slice %sub3A {offsets = [0, 4992], sizes = [512, 128], strides = [1, 1]} : vector<512x8192xf32> to vector<512x128xf32>
    %le3A_626 = vector.broadcast %select_n3A_559 : vector<512x1xf32> to vector<512x128xf32>
    %le3A_627 = arith.cmpf ole, %slice3A_625, %le3A_626 : vector<512x128xf32>
    %jit3A_628 = arith.constant 7 : i32
    %jit3A_629 = arith.constant 8192 : i32
    %broadcast_in_dim3A_630 = vector.broadcast %jit3A_628 : i32 to vector<512x128xi32>
    %broadcast_in_dim3A_631 = vector.broadcast %jit3A_629 : i32 to vector<512x128xi32>
    %select_n3A_632 = arith.select %le3A_627, %broadcast_in_dim3A_630, %broadcast_in_dim3A_631 : vector<512x128xi1>, vector<512x128xi32>
    %min3A_633 = arith.minsi %min3A_624, %select_n3A_632 : vector<512x128xi32>
    %slice3A_634 = vector.extract_strided_slice %sub3A {offsets = [0, 5120], sizes = [512, 128], strides = [1, 1]} : vector<512x8192xf32> to vector<512x128xf32>
    %le3A_635 = vector.broadcast %select_n3A_559 : vector<512x1xf32> to vector<512x128xf32>
    %le3A_636 = arith.cmpf ole, %slice3A_634, %le3A_635 : vector<512x128xf32>
    %jit3A_637 = arith.constant 8 : i32
    %jit3A_638 = arith.constant 8192 : i32
    %broadcast_in_dim3A_639 = vector.broadcast %jit3A_637 : i32 to vector<512x128xi32>
    %broadcast_in_dim3A_640 = vector.broadcast %jit3A_638 : i32 to vector<512x128xi32>
    %select_n3A_641 = arith.select %le3A_636, %broadcast_in_dim3A_639, %broadcast_in_dim3A_640 : vector<512x128xi1>, vector<512x128xi32>
    %min3A_642 = arith.minsi %min3A_633, %select_n3A_641 : vector<512x128xi32>
    %slice3A_643 = vector.extract_strided_slice %sub3A {offsets = [0, 5248], sizes = [512, 128], strides = [1, 1]} : vector<512x8192xf32> to vector<512x128xf32>
    %le3A_644 = vector.broadcast %select_n3A_559 : vector<512x1xf32> to vector<512x128xf32>
    %le3A_645 = arith.cmpf ole, %slice3A_643, %le3A_644 : vector<512x128xf32>
    %jit3A_646 = arith.constant 9 : i32
    %jit3A_647 = arith.constant 8192 : i32
    %broadcast_in_dim3A_648 = vector.broadcast %jit3A_646 : i32 to vector<512x128xi32>
    %broadcast_in_dim3A_649 = vector.broadcast %jit3A_647 : i32 to vector<512x128xi32>
    %select_n3A_650 = arith.select %le3A_645, %broadcast_in_dim3A_648, %broadcast_in_dim3A_649 : vector<512x128xi1>, vector<512x128xi32>
    %min3A_651 = arith.minsi %min3A_642, %select_n3A_650 : vector<512x128xi32>
    %slice3A_652 = vector.extract_strided_slice %sub3A {offsets = [0, 5376], sizes = [512, 128], strides = [1, 1]} : vector<512x8192xf32> to vector<512x128xf32>
    %le3A_653 = vector.broadcast %select_n3A_559 : vector<512x1xf32> to vector<512x128xf32>
    %le3A_654 = arith.cmpf ole, %slice3A_652, %le3A_653 : vector<512x128xf32>
    %jit3A_655 = arith.constant 10 : i32
    %jit3A_656 = arith.constant 8192 : i32
    %broadcast_in_dim3A_657 = vector.broadcast %jit3A_655 : i32 to vector<512x128xi32>
    %broadcast_in_dim3A_658 = vector.broadcast %jit3A_656 : i32 to vector<512x128xi32>
    %select_n3A_659 = arith.select %le3A_654, %broadcast_in_dim3A_657, %broadcast_in_dim3A_658 : vector<512x128xi1>, vector<512x128xi32>
    %min3A_660 = arith.minsi %min3A_651, %select_n3A_659 : vector<512x128xi32>
    %slice3A_661 = vector.extract_strided_slice %sub3A {offsets = [0, 5504], sizes = [512, 128], strides = [1, 1]} : vector<512x8192xf32> to vector<512x128xf32>
    %le3A_662 = vector.broadcast %select_n3A_559 : vector<512x1xf32> to vector<512x128xf32>
    %le3A_663 = arith.cmpf ole, %slice3A_661, %le3A_662 : vector<512x128xf32>
    %jit3A_664 = arith.constant 11 : i32
    %jit3A_665 = arith.constant 8192 : i32
    %broadcast_in_dim3A_666 = vector.broadcast %jit3A_664 : i32 to vector<512x128xi32>
    %broadcast_in_dim3A_667 = vector.broadcast %jit3A_665 : i32 to vector<512x128xi32>
    %select_n3A_668 = arith.select %le3A_663, %broadcast_in_dim3A_666, %broadcast_in_dim3A_667 : vector<512x128xi1>, vector<512x128xi32>
    %min3A_669 = arith.minsi %min3A_660, %select_n3A_668 : vector<512x128xi32>
    %slice3A_670 = vector.extract_strided_slice %sub3A {offsets = [0, 5632], sizes = [512, 128], strides = [1, 1]} : vector<512x8192xf32> to vector<512x128xf32>
    %le3A_671 = vector.broadcast %select_n3A_559 : vector<512x1xf32> to vector<512x128xf32>
    %le3A_672 = arith.cmpf ole, %slice3A_670, %le3A_671 : vector<512x128xf32>
    %jit3A_673 = arith.constant 12 : i32
    %jit3A_674 = arith.constant 8192 : i32
    %broadcast_in_dim3A_675 = vector.broadcast %jit3A_673 : i32 to vector<512x128xi32>
    %broadcast_in_dim3A_676 = vector.broadcast %jit3A_674 : i32 to vector<512x128xi32>
    %select_n3A_677 = arith.select %le3A_672, %broadcast_in_dim3A_675, %broadcast_in_dim3A_676 : vector<512x128xi1>, vector<512x128xi32>
    %min3A_678 = arith.minsi %min3A_669, %select_n3A_677 : vector<512x128xi32>
    %slice3A_679 = vector.extract_strided_slice %sub3A {offsets = [0, 5760], sizes = [512, 128], strides = [1, 1]} : vector<512x8192xf32> to vector<512x128xf32>
    %le3A_680 = vector.broadcast %select_n3A_559 : vector<512x1xf32> to vector<512x128xf32>
    %le3A_681 = arith.cmpf ole, %slice3A_679, %le3A_680 : vector<512x128xf32>
    %jit3A_682 = arith.constant 13 : i32
    %jit3A_683 = arith.constant 8192 : i32
    %broadcast_in_dim3A_684 = vector.broadcast %jit3A_682 : i32 to vector<512x128xi32>
    %broadcast_in_dim3A_685 = vector.broadcast %jit3A_683 : i32 to vector<512x128xi32>
    %select_n3A_686 = arith.select %le3A_681, %broadcast_in_dim3A_684, %broadcast_in_dim3A_685 : vector<512x128xi1>, vector<512x128xi32>
    %min3A_687 = arith.minsi %min3A_678, %select_n3A_686 : vector<512x128xi32>
    %slice3A_688 = vector.extract_strided_slice %sub3A {offsets = [0, 5888], sizes = [512, 128], strides = [1, 1]} : vector<512x8192xf32> to vector<512x128xf32>
    %le3A_689 = vector.broadcast %select_n3A_559 : vector<512x1xf32> to vector<512x128xf32>
    %le3A_690 = arith.cmpf ole, %slice3A_688, %le3A_689 : vector<512x128xf32>
    %jit3A_691 = arith.constant 14 : i32
    %jit3A_692 = arith.constant 8192 : i32
    %broadcast_in_dim3A_693 = vector.broadcast %jit3A_691 : i32 to vector<512x128xi32>
    %broadcast_in_dim3A_694 = vector.broadcast %jit3A_692 : i32 to vector<512x128xi32>
    %select_n3A_695 = arith.select %le3A_690, %broadcast_in_dim3A_693, %broadcast_in_dim3A_694 : vector<512x128xi1>, vector<512x128xi32>
    %min3A_696 = arith.minsi %min3A_687, %select_n3A_695 : vector<512x128xi32>
    %slice3A_697 = vector.extract_strided_slice %sub3A {offsets = [0, 6016], sizes = [512, 128], strides = [1, 1]} : vector<512x8192xf32> to vector<512x128xf32>
    %le3A_698 = vector.broadcast %select_n3A_559 : vector<512x1xf32> to vector<512x128xf32>
    %le3A_699 = arith.cmpf ole, %slice3A_697, %le3A_698 : vector<512x128xf32>
    %jit3A_700 = arith.constant 15 : i32
    %jit3A_701 = arith.constant 8192 : i32
    %broadcast_in_dim3A_702 = vector.broadcast %jit3A_700 : i32 to vector<512x128xi32>
    %broadcast_in_dim3A_703 = vector.broadcast %jit3A_701 : i32 to vector<512x128xi32>
    %select_n3A_704 = arith.select %le3A_699, %broadcast_in_dim3A_702, %broadcast_in_dim3A_703 : vector<512x128xi1>, vector<512x128xi32>
    %min3A_705 = arith.minsi %min3A_696, %select_n3A_704 : vector<512x128xi32>
    %slice3A_706 = vector.extract_strided_slice %sub3A {offsets = [0, 6144], sizes = [512, 128], strides = [1, 1]} : vector<512x8192xf32> to vector<512x128xf32>
    %le3A_707 = vector.broadcast %select_n3A_559 : vector<512x1xf32> to vector<512x128xf32>
    %le3A_708 = arith.cmpf ole, %slice3A_706, %le3A_707 : vector<512x128xf32>
    %jit3A_709 = arith.constant 16 : i32
    %jit3A_710 = arith.constant 8192 : i32
    %broadcast_in_dim3A_711 = vector.broadcast %jit3A_709 : i32 to vector<512x128xi32>
    %broadcast_in_dim3A_712 = vector.broadcast %jit3A_710 : i32 to vector<512x128xi32>
    %select_n3A_713 = arith.select %le3A_708, %broadcast_in_dim3A_711, %broadcast_in_dim3A_712 : vector<512x128xi1>, vector<512x128xi32>
    %min3A_714 = arith.minsi %min3A_705, %select_n3A_713 : vector<512x128xi32>
    %slice3A_715 = vector.extract_strided_slice %sub3A {offsets = [0, 6272], sizes = [512, 128], strides = [1, 1]} : vector<512x8192xf32> to vector<512x128xf32>
    %le3A_716 = vector.broadcast %select_n3A_559 : vector<512x1xf32> to vector<512x128xf32>
    %le3A_717 = arith.cmpf ole, %slice3A_715, %le3A_716 : vector<512x128xf32>
    %jit3A_718 = arith.constant 17 : i32
    %jit3A_719 = arith.constant 8192 : i32
    %broadcast_in_dim3A_720 = vector.broadcast %jit3A_718 : i32 to vector<512x128xi32>
    %broadcast_in_dim3A_721 = vector.broadcast %jit3A_719 : i32 to vector<512x128xi32>
    %select_n3A_722 = arith.select %le3A_717, %broadcast_in_dim3A_720, %broadcast_in_dim3A_721 : vector<512x128xi1>, vector<512x128xi32>
    %min3A_723 = arith.minsi %min3A_714, %select_n3A_722 : vector<512x128xi32>
    %slice3A_724 = vector.extract_strided_slice %sub3A {offsets = [0, 6400], sizes = [512, 128], strides = [1, 1]} : vector<512x8192xf32> to vector<512x128xf32>
    %le3A_725 = vector.broadcast %select_n3A_559 : vector<512x1xf32> to vector<512x128xf32>
    %le3A_726 = arith.cmpf ole, %slice3A_724, %le3A_725 : vector<512x128xf32>
    %jit3A_727 = arith.constant 18 : i32
    %jit3A_728 = arith.constant 8192 : i32
    %broadcast_in_dim3A_729 = vector.broadcast %jit3A_727 : i32 to vector<512x128xi32>
    %broadcast_in_dim3A_730 = vector.broadcast %jit3A_728 : i32 to vector<512x128xi32>
    %select_n3A_731 = arith.select %le3A_726, %broadcast_in_dim3A_729, %broadcast_in_dim3A_730 : vector<512x128xi1>, vector<512x128xi32>
    %min3A_732 = arith.minsi %min3A_723, %select_n3A_731 : vector<512x128xi32>
    %slice3A_733 = vector.extract_strided_slice %sub3A {offsets = [0, 6528], sizes = [512, 128], strides = [1, 1]} : vector<512x8192xf32> to vector<512x128xf32>
    %le3A_734 = vector.broadcast %select_n3A_559 : vector<512x1xf32> to vector<512x128xf32>
    %le3A_735 = arith.cmpf ole, %slice3A_733, %le3A_734 : vector<512x128xf32>
    %jit3A_736 = arith.constant 19 : i32
    %jit3A_737 = arith.constant 8192 : i32
    %broadcast_in_dim3A_738 = vector.broadcast %jit3A_736 : i32 to vector<512x128xi32>
    %broadcast_in_dim3A_739 = vector.broadcast %jit3A_737 : i32 to vector<512x128xi32>
    %select_n3A_740 = arith.select %le3A_735, %broadcast_in_dim3A_738, %broadcast_in_dim3A_739 : vector<512x128xi1>, vector<512x128xi32>
    %min3A_741 = arith.minsi %min3A_732, %select_n3A_740 : vector<512x128xi32>
    %slice3A_742 = vector.extract_strided_slice %sub3A {offsets = [0, 6656], sizes = [512, 128], strides = [1, 1]} : vector<512x8192xf32> to vector<512x128xf32>
    %le3A_743 = vector.broadcast %select_n3A_559 : vector<512x1xf32> to vector<512x128xf32>
    %le3A_744 = arith.cmpf ole, %slice3A_742, %le3A_743 : vector<512x128xf32>
    %jit3A_745 = arith.constant 20 : i32
    %jit3A_746 = arith.constant 8192 : i32
    %broadcast_in_dim3A_747 = vector.broadcast %jit3A_745 : i32 to vector<512x128xi32>
    %broadcast_in_dim3A_748 = vector.broadcast %jit3A_746 : i32 to vector<512x128xi32>
    %select_n3A_749 = arith.select %le3A_744, %broadcast_in_dim3A_747, %broadcast_in_dim3A_748 : vector<512x128xi1>, vector<512x128xi32>
    %min3A_750 = arith.minsi %min3A_741, %select_n3A_749 : vector<512x128xi32>
    %slice3A_751 = vector.extract_strided_slice %sub3A {offsets = [0, 6784], sizes = [512, 128], strides = [1, 1]} : vector<512x8192xf32> to vector<512x128xf32>
    %le3A_752 = vector.broadcast %select_n3A_559 : vector<512x1xf32> to vector<512x128xf32>
    %le3A_753 = arith.cmpf ole, %slice3A_751, %le3A_752 : vector<512x128xf32>
    %jit3A_754 = arith.constant 21 : i32
    %jit3A_755 = arith.constant 8192 : i32
    %broadcast_in_dim3A_756 = vector.broadcast %jit3A_754 : i32 to vector<512x128xi32>
    %broadcast_in_dim3A_757 = vector.broadcast %jit3A_755 : i32 to vector<512x128xi32>
    %select_n3A_758 = arith.select %le3A_753, %broadcast_in_dim3A_756, %broadcast_in_dim3A_757 : vector<512x128xi1>, vector<512x128xi32>
    %min3A_759 = arith.minsi %min3A_750, %select_n3A_758 : vector<512x128xi32>
    %slice3A_760 = vector.extract_strided_slice %sub3A {offsets = [0, 6912], sizes = [512, 128], strides = [1, 1]} : vector<512x8192xf32> to vector<512x128xf32>
    %le3A_761 = vector.broadcast %select_n3A_559 : vector<512x1xf32> to vector<512x128xf32>
    %le3A_762 = arith.cmpf ole, %slice3A_760, %le3A_761 : vector<512x128xf32>
    %jit3A_763 = arith.constant 22 : i32
    %jit3A_764 = arith.constant 8192 : i32
    %broadcast_in_dim3A_765 = vector.broadcast %jit3A_763 : i32 to vector<512x128xi32>
    %broadcast_in_dim3A_766 = vector.broadcast %jit3A_764 : i32 to vector<512x128xi32>
    %select_n3A_767 = arith.select %le3A_762, %broadcast_in_dim3A_765, %broadcast_in_dim3A_766 : vector<512x128xi1>, vector<512x128xi32>
    %min3A_768 = arith.minsi %min3A_759, %select_n3A_767 : vector<512x128xi32>
    %slice3A_769 = vector.extract_strided_slice %sub3A {offsets = [0, 7040], sizes = [512, 128], strides = [1, 1]} : vector<512x8192xf32> to vector<512x128xf32>
    %le3A_770 = vector.broadcast %select_n3A_559 : vector<512x1xf32> to vector<512x128xf32>
    %le3A_771 = arith.cmpf ole, %slice3A_769, %le3A_770 : vector<512x128xf32>
    %jit3A_772 = arith.constant 23 : i32
    %jit3A_773 = arith.constant 8192 : i32
    %broadcast_in_dim3A_774 = vector.broadcast %jit3A_772 : i32 to vector<512x128xi32>
    %broadcast_in_dim3A_775 = vector.broadcast %jit3A_773 : i32 to vector<512x128xi32>
    %select_n3A_776 = arith.select %le3A_771, %broadcast_in_dim3A_774, %broadcast_in_dim3A_775 : vector<512x128xi1>, vector<512x128xi32>
    %min3A_777 = arith.minsi %min3A_768, %select_n3A_776 : vector<512x128xi32>
    %slice3A_778 = vector.extract_strided_slice %sub3A {offsets = [0, 7168], sizes = [512, 128], strides = [1, 1]} : vector<512x8192xf32> to vector<512x128xf32>
    %le3A_779 = vector.broadcast %select_n3A_559 : vector<512x1xf32> to vector<512x128xf32>
    %le3A_780 = arith.cmpf ole, %slice3A_778, %le3A_779 : vector<512x128xf32>
    %jit3A_781 = arith.constant 24 : i32
    %jit3A_782 = arith.constant 8192 : i32
    %broadcast_in_dim3A_783 = vector.broadcast %jit3A_781 : i32 to vector<512x128xi32>
    %broadcast_in_dim3A_784 = vector.broadcast %jit3A_782 : i32 to vector<512x128xi32>
    %select_n3A_785 = arith.select %le3A_780, %broadcast_in_dim3A_783, %broadcast_in_dim3A_784 : vector<512x128xi1>, vector<512x128xi32>
    %min3A_786 = arith.minsi %min3A_777, %select_n3A_785 : vector<512x128xi32>
    %slice3A_787 = vector.extract_strided_slice %sub3A {offsets = [0, 7296], sizes = [512, 128], strides = [1, 1]} : vector<512x8192xf32> to vector<512x128xf32>
    %le3A_788 = vector.broadcast %select_n3A_559 : vector<512x1xf32> to vector<512x128xf32>
    %le3A_789 = arith.cmpf ole, %slice3A_787, %le3A_788 : vector<512x128xf32>
    %jit3A_790 = arith.constant 25 : i32
    %jit3A_791 = arith.constant 8192 : i32
    %broadcast_in_dim3A_792 = vector.broadcast %jit3A_790 : i32 to vector<512x128xi32>
    %broadcast_in_dim3A_793 = vector.broadcast %jit3A_791 : i32 to vector<512x128xi32>
    %select_n3A_794 = arith.select %le3A_789, %broadcast_in_dim3A_792, %broadcast_in_dim3A_793 : vector<512x128xi1>, vector<512x128xi32>
    %min3A_795 = arith.minsi %min3A_786, %select_n3A_794 : vector<512x128xi32>
    %slice3A_796 = vector.extract_strided_slice %sub3A {offsets = [0, 7424], sizes = [512, 128], strides = [1, 1]} : vector<512x8192xf32> to vector<512x128xf32>
    %le3A_797 = vector.broadcast %select_n3A_559 : vector<512x1xf32> to vector<512x128xf32>
    %le3A_798 = arith.cmpf ole, %slice3A_796, %le3A_797 : vector<512x128xf32>
    %jit3A_799 = arith.constant 26 : i32
    %jit3A_800 = arith.constant 8192 : i32
    %broadcast_in_dim3A_801 = vector.broadcast %jit3A_799 : i32 to vector<512x128xi32>
    %broadcast_in_dim3A_802 = vector.broadcast %jit3A_800 : i32 to vector<512x128xi32>
    %select_n3A_803 = arith.select %le3A_798, %broadcast_in_dim3A_801, %broadcast_in_dim3A_802 : vector<512x128xi1>, vector<512x128xi32>
    %min3A_804 = arith.minsi %min3A_795, %select_n3A_803 : vector<512x128xi32>
    %slice3A_805 = vector.extract_strided_slice %sub3A {offsets = [0, 7552], sizes = [512, 128], strides = [1, 1]} : vector<512x8192xf32> to vector<512x128xf32>
    %le3A_806 = vector.broadcast %select_n3A_559 : vector<512x1xf32> to vector<512x128xf32>
    %le3A_807 = arith.cmpf ole, %slice3A_805, %le3A_806 : vector<512x128xf32>
    %jit3A_808 = arith.constant 27 : i32
    %jit3A_809 = arith.constant 8192 : i32
    %broadcast_in_dim3A_810 = vector.broadcast %jit3A_808 : i32 to vector<512x128xi32>
    %broadcast_in_dim3A_811 = vector.broadcast %jit3A_809 : i32 to vector<512x128xi32>
    %select_n3A_812 = arith.select %le3A_807, %broadcast_in_dim3A_810, %broadcast_in_dim3A_811 : vector<512x128xi1>, vector<512x128xi32>
    %min3A_813 = arith.minsi %min3A_804, %select_n3A_812 : vector<512x128xi32>
    %slice3A_814 = vector.extract_strided_slice %sub3A {offsets = [0, 7680], sizes = [512, 128], strides = [1, 1]} : vector<512x8192xf32> to vector<512x128xf32>
    %le3A_815 = vector.broadcast %select_n3A_559 : vector<512x1xf32> to vector<512x128xf32>
    %le3A_816 = arith.cmpf ole, %slice3A_814, %le3A_815 : vector<512x128xf32>
    %jit3A_817 = arith.constant 28 : i32
    %jit3A_818 = arith.constant 8192 : i32
    %broadcast_in_dim3A_819 = vector.broadcast %jit3A_817 : i32 to vector<512x128xi32>
    %broadcast_in_dim3A_820 = vector.broadcast %jit3A_818 : i32 to vector<512x128xi32>
    %select_n3A_821 = arith.select %le3A_816, %broadcast_in_dim3A_819, %broadcast_in_dim3A_820 : vector<512x128xi1>, vector<512x128xi32>
    %min3A_822 = arith.minsi %min3A_813, %select_n3A_821 : vector<512x128xi32>
    %slice3A_823 = vector.extract_strided_slice %sub3A {offsets = [0, 7808], sizes = [512, 128], strides = [1, 1]} : vector<512x8192xf32> to vector<512x128xf32>
    %le3A_824 = vector.broadcast %select_n3A_559 : vector<512x1xf32> to vector<512x128xf32>
    %le3A_825 = arith.cmpf ole, %slice3A_823, %le3A_824 : vector<512x128xf32>
    %jit3A_826 = arith.constant 29 : i32
    %jit3A_827 = arith.constant 8192 : i32
    %broadcast_in_dim3A_828 = vector.broadcast %jit3A_826 : i32 to vector<512x128xi32>
    %broadcast_in_dim3A_829 = vector.broadcast %jit3A_827 : i32 to vector<512x128xi32>
    %select_n3A_830 = arith.select %le3A_825, %broadcast_in_dim3A_828, %broadcast_in_dim3A_829 : vector<512x128xi1>, vector<512x128xi32>
    %min3A_831 = arith.minsi %min3A_822, %select_n3A_830 : vector<512x128xi32>
    %slice3A_832 = vector.extract_strided_slice %sub3A {offsets = [0, 7936], sizes = [512, 128], strides = [1, 1]} : vector<512x8192xf32> to vector<512x128xf32>
    %le3A_833 = vector.broadcast %select_n3A_559 : vector<512x1xf32> to vector<512x128xf32>
    %le3A_834 = arith.cmpf ole, %slice3A_832, %le3A_833 : vector<512x128xf32>
    %jit3A_835 = arith.constant 30 : i32
    %jit3A_836 = arith.constant 8192 : i32
    %broadcast_in_dim3A_837 = vector.broadcast %jit3A_835 : i32 to vector<512x128xi32>
    %broadcast_in_dim3A_838 = vector.broadcast %jit3A_836 : i32 to vector<512x128xi32>
    %select_n3A_839 = arith.select %le3A_834, %broadcast_in_dim3A_837, %broadcast_in_dim3A_838 : vector<512x128xi1>, vector<512x128xi32>
    %min3A_840 = arith.minsi %min3A_831, %select_n3A_839 : vector<512x128xi32>
    %slice3A_841 = vector.extract_strided_slice %sub3A {offsets = [0, 8064], sizes = [512, 128], strides = [1, 1]} : vector<512x8192xf32> to vector<512x128xf32>
    %le3A_842 = vector.broadcast %select_n3A_559 : vector<512x1xf32> to vector<512x128xf32>
    %le3A_843 = arith.cmpf ole, %slice3A_841, %le3A_842 : vector<512x128xf32>
    %jit3A_844 = arith.constant 31 : i32
    %jit3A_845 = arith.constant 8192 : i32
    %broadcast_in_dim3A_846 = vector.broadcast %jit3A_844 : i32 to vector<512x128xi32>
    %broadcast_in_dim3A_847 = vector.broadcast %jit3A_845 : i32 to vector<512x128xi32>
    %select_n3A_848 = arith.select %le3A_843, %broadcast_in_dim3A_846, %broadcast_in_dim3A_847 : vector<512x128xi1>, vector<512x128xi32>
    %min3A_849 = arith.minsi %min3A_840, %select_n3A_848 : vector<512x128xi32>
    %mul3A_850 = arith.constant 128 : i32
    %mul3A_851 = vector.broadcast %mul3A_850 : i32 to vector<512x128xi32>
    %mul3A_852 = arith.muli %min3A_849, %mul3A_851 : vector<512x128xi32>
    %iota3A_853 = tpu.iota {dimensions = array<i32: 1>} : vector<512x128xi32>
    %add3A_854 = arith.addi %mul3A_852, %iota3A_853 : vector<512x128xi32>
    %reduce_min3A_855 = arith.constant dense<2147483647> : vector<512xi32>
    %reduce_min3A_856 = vector.multi_reduction <minsi>, %add3A_854, %reduce_min3A_855 [1] : vector<512x128xi32> to vector<512xi32>
    %squeeze3A_857 = vector.shape_cast %sqrt3A_497 : vector<512x1xf32> to vector<512xf32>
    %convert_element_type3A = arith.truncf %squeeze3A : vector<512xf32> to vector<512xbf16>
    %convert_element_type3A_858 = arith.extf %convert_element_type3A : vector<512xbf16> to vector<512xf32>
    %lt3A = arith.cmpf olt, %squeeze3A_857, %convert_element_type3A_858 : vector<512xf32>
    %add3A_859 = arith.constant 4096 : i32
    %add3A_860 = vector.broadcast %add3A_859 : i32 to vector<512xi32>
    %add3A_861 = arith.addi %reduce_min3A_856, %add3A_860 : vector<512xi32>
    %select_n3A_862 = arith.select %lt3A, %add3A_861, %reduce_min3A_427 : vector<512xi1>, vector<512xi32>
    %swap3A = arith.constant 0 : index
    %swap3A_863 = arith.constant 0 : index
    %swap3A_864 = arith.constant 0 : index
    %swap3A_865 = vector.load %arg5[%swap3A, %swap3A_863, %swap3A_864] : memref<1x1x512xi32, #tpu.memory_space<vmem>>, vector<1x1x512xi32>
    %swap3A_866 = vector.shape_cast %swap3A_865 : vector<1x1x512xi32> to vector<512xi32>
    %swap3A_867 = vector.shape_cast %select_n3A_862 : vector<512xi32> to vector<1x1x512xi32>
    tpu.vector_store %arg5[%swap3A, %swap3A_863, %swap3A_864], %swap3A_867 {strides = array<i32>} : memref<1x1x512xi32, #tpu.memory_space<vmem>>, vector<1x1x512xi32>,
    %select_n3A_868 = arith.select %lt3A, %squeeze3A_857, %squeeze3A : vector<512xi1>, vector<512xf32>
    %mul3A_869 = arith.mulf %select_n3A_868, %select_n3A_868 : vector<512xf32>
    %reduce_sum3A = vector.shape_cast %mul3A_869 : vector<512xf32> to vector<1x512xf32>
    %reduce_sum3A_870 = arith.constant dense<0.000000e+00> : vector<1xf32>
    %reduce_sum3A_871 = vector.multi_reduction <add>, %reduce_sum3A, %reduce_sum3A_870 [1] : vector<1x512xf32> to vector<1xf32>
    %reduce_sum3A_872 = vector.shape_cast %reduce_sum3A_871 : vector<1xf32> to vector<1x1xf32>
    %reduce_sum3A_873 = vector.extract %reduce_sum3A_872[0, 0] : f32 from vector<1x1xf32>
    %eq3A_874 = arith.constant 0 : i32
    %eq3A_875 = arith.cmpi eq, %arg0, %eq3A_874 : i32
    %convert_element_type3A_876 = arith.extui %eq3A_875 : i1 to i32
    %cond3A = arith.constant 0 : i32
    %cond3A_877 = arith.cmpi ne, %convert_element_type3A_876, %cond3A : i32
    scf.if %cond3A_877 {
      %swap3A_888 = arith.constant 0.000000e+00 : f32
      %swap3A_889 = arith.constant 0 : index
      %swap3A_890 = memref.load %arg7[%swap3A_889] : memref<1xf32, #tpu.memory_space<smem>>
      memref.store %swap3A_888, %arg7[%swap3A_889] : memref<1xf32, #tpu.memory_space<smem>>
    } else {
    }
    %get3A_878 = arith.constant 0 : index
    %get3A_879 = memref.load %arg7[%get3A_878] : memref<1xf32, #tpu.memory_space<smem>>
    %add3A_880 = arith.addf %get3A_879, %reduce_sum3A_873 : f32
    %swap3A_881 = arith.constant 0 : index
    %swap3A_882 = memref.load %arg7[%swap3A_881] : memref<1xf32, #tpu.memory_space<smem>>
    memref.store %add3A_880, %arg7[%swap3A_881] : memref<1xf32, #tpu.memory_space<smem>>
    %eq3A_883 = arith.constant 31 : i32
    %eq3A_884 = arith.cmpi eq, %arg0, %eq3A_883 : i32
    %convert_element_type3A_885 = arith.extui %eq3A_884 : i1 to i32
    %cond3A_886 = arith.constant 0 : i32
    %cond3A_887 = arith.cmpi ne, %convert_element_type3A_885, %cond3A_886 : i32
    scf.if %cond3A_887 {
      %get3A_888 = arith.constant 0 : index
      %get3A_889 = memref.load %arg7[%get3A_888] : memref<1xf32, #tpu.memory_space<smem>>
      %broadcast_in_dim3A_890 = vector.broadcast %get3A_889 : f32 to vector<1x1xf32>
      %swap3A_891 = arith.constant 0 : index
      %swap3A_892 = arith.constant 0 : index
      %swap3A_893 = vector.load %arg6[%swap3A_891, %swap3A_892] : memref<1x1xf32, #tpu.memory_space<vmem>>, vector<1x1xf32>
      tpu.vector_store %arg6[%swap3A_891, %swap3A_892], %broadcast_in_dim3A_890 {strides = array<i32>} : memref<1x1xf32, #tpu.memory_space<vmem>>, vector<1x1xf32>,
    } else {
    }
    return
  }
  func.func @transform_0(%arg0: i32) -> (i32, i32) {
    %c0_i32 = arith.constant 0 : i32
    %c0_i32_0 = arith.constant 0 : i32
    return %arg0, %c0_i32 : i32, i32
  }
  func.func @transform_1(%arg0: i32) -> (i32, i32) {
    %c0_i32 = arith.constant 0 : i32
    %c0_i32_0 = arith.constant 0 : i32
    %c0_i32_1 = arith.constant 0 : i32
    return %c0_i32, %c0_i32_0 : i32, i32
  }
  func.func @transform_2(%arg0: i32) -> (i32, i32) {
    %c0_i32 = arith.constant 0 : i32
    %c0_i32_0 = arith.constant 0 : i32
    return %arg0, %c0_i32 : i32, i32
  }
  func.func @transform_3(%arg0: i32) -> (i32, i32) {
    %c0_i32 = arith.constant 0 : i32
    %c0_i32_0 = arith.constant 0 : i32
    %c0_i32_1 = arith.constant 0 : i32
    return %c0_i32, %c0_i32_0 : i32, i32
  }
  func.func @transform_4(%arg0: i32) -> (i32, i32, i32) {
    %c0_i32 = arith.constant 0 : i32
    %c0_i32_0 = arith.constant 0 : i32
    %c0_i32_1 = arith.constant 0 : i32
    return %arg0, %c0_i32, %c0_i32_0 : i32, i32, i32
  }
  func.func @transform_5(%arg0: i32) -> (i32, i32) {
    %c0_i32 = arith.constant 0 : i32
    %c0_i32_0 = arith.constant 0 : i32
    %c0_i32_1 = arith.constant 0 : i32
    return %c0_i32, %c0_i32_0 : i32, i32
  }
}

</mosaic_0001>

<sc_bundles>
// kernel: kernel.4.cloned.1.call-start
scs
__scs_entry_jumppad:
0x0: {  	(pc) =	sbr.rel $0x88, $3  }
0x1: {  	(tag) =	ssettag $0x0;
	lr =	simm.s32 $0x1  }
0x2: {  	[smem:$0x3F9F] =	sst lr;
	_ =	strace $0xD0000000  }
0x3: {  	_ = 	snop  }
0x4: {  	_ = 	snop  }
0x5: {  	_ = 	snop  }
0x6: {  	_ = 	snop  }
0x7: {  	_ = 	snop  }
__scs_overlays_trampoline_lowered:
0x8: {  	[smem:$0x3FAE] =	sst s0  }
0x9: {  	[smem:$0x3FAF] =	sst s1  }
0xa: {  	[smem:$0x3FB0] =	sst s2  }
0xb: {  	[smem:$0x3FB1] =	sst s3  }
0xc: {  	[smem:$0x3FB2] =	sst s4  }
0xd: {  	[smem:$0x3FB3] =	sst s5  }
0xe: {  	[smem:$0x3FB4] =	sst s6  }
0xf: {  	[smem:$0x3FB5] =	sst s7  }
0x10: {  	[smem:$0x3FB6] =	sst s8  }
0x11: {  	[smem:$0x3FB7] =	sst s9;
	s0 =	simm.s32 @!p0 $0x0  }
0x12: {  	s1 =	sld [smem:$0x3F9D];
	s0 =	simm.s32 @p0 $0x1  }
0x13: {  	[smem:$0x3FB8] =	sst s0;
	s0 =	simm.s32 @!p1 $0x0  }
0x14: {  	s2 =	sld [smem:$0x3F9C];
	s0 =	simm.s32 @p1 $0x1  }
0x15: {  	[smem:$0x3FB9] =	sst s0;
	s0 =	simm.s32 @!p2 $0x0  }
0x16: {  	s3 =	sld [smem:$0x3FDB];
	s0 =	simm.s32 @p2 $0x1  }
0x17: {  	s4 =	simm.s32 $0x1BF5;
	[smem:$0x3FBB] =	sst s0  }
0x18: {  	s0 =	sld [smem:$0x3F9E];
	_ =	swait.ge [sflag:s4], $0x0  }
0x19: {  	s7 =	sld [smem:$0x3F9F]  }
0x1a: {  	s8 =	sadd.s32 $0xFFFFE003, lr  }
0x1b: {  	s9 =	sadd.s32 $0xFFFFFEF7, lr;
	s5 =	simm.s32 $0xFFFFFFFF;
	p2 =	slt.u32 s8, $0xFFFFF086  }
0x1c: {  	p1 =	slt.u32 s9, $0xF7A;
	s5 =	simm.s32 @!p2 $0x0  }
0x1d: {  	s5 =	simm.s32 @p1 $0x1;
	p0 =	seq.s32 s7, s2  }
0x1e: {  	s7 =	smul.u32 @!p0 $0xF7A, s2;
	p2 =	seq.s32 @!p0 s5, $0x0  }
0x1f: {  	s9 =	smul.u32 $0xF7A, s1;
	s8 =	simm.s32 @!p0 $0x1BF5;
	p2 =	por !p2, p0  }
0x20: {  	[sflag:s8] =	ssyncset.s32 @!p0 $0xFFFFF086;
	s6 =	sadd.s32 @!p0 s3, s7;
	s7 =	simm.s32 @!p0 $0x108  }
0x21: {  	s3 =	sadd.s32 s3, s9;
	s6 =	sadd.s32 @!p0 $0x88, s6;
	s7 =	simm.s32 @p2 $0x1082  }
0x22: {  	[simem:s7], [sflag:s8] =	dma.local @!p0 [hbm:s6], $0xF7A  }
0x23: {  	s9 =	sor.u32 $0xD0000000, s2;
	s6 =	simm.s32 $0x108;
	_ =	swait.ge @!p0 [sflag:s8], $0x0  }
0x24: {  	s3 =	sadd.s32 $0x88, s3;
	s6 =	simm.s32 @!p1 $0x1082;
	[sflag:s4] =	ssyncset.s32 $0xFFFFF086  }
0x25: {  	[simem:s6], [sflag:s4] =	dma.local [hbm:s3], $0xF7A  }
0x26: {  	[smem:$0x3F9F] =	sst s1;
	(tag) =	ssettag s2;
	_ =	strace s9  }
0x27: {  	s1 =	sld [smem:$0x3FAF]  }
0x28: {  	s2 =	sld [smem:$0x3FB0]  }
0x29: {  	s4 =	sld [smem:$0x3FB2]  }
0x2a: {  	p0 =	seq.s32 s5, $0x0;
	s5 =	sld [smem:$0x3FB3]  }
0x2b: {  	s6 =	sld [smem:$0x3FB4]  }
0x2c: {  	s7 =	sld [smem:$0x3FB5]  }
0x2d: {  	s3 =	simm.s32 $0x108;
	s8 =	sld [smem:$0x3FB6]  }
0x2e: {  	s3 =	simm.s32 @!p0 $0x1082;
	s9 =	sld [smem:$0x3FB7]  }
0x2f: {  	lr =	sadd.s32 s0, s3;
	s0 =	sld [smem:$0x3FAE]  }
0x30: {  	s3 =	sld [smem:$0x3FB1]  }
0x31: {  	[smem:$0x3FBA] =	sst s10  }
0x32: {  	s10 =	sld [smem:$0x3FB8];
	_ =	sdelay $0x3  }
0x33: {  	p0 =	seq.s32 s10, $0x1;
	s10 =	sld [smem:$0x3FBA];
	_ =	sdelay $0x3  }
0x34: {  	[smem:$0x3FBA] =	sst s10  }
0x35: {  	s10 =	sld [smem:$0x3FB9];
	_ =	sdelay $0x3  }
0x36: {  	p1 =	seq.s32 s10, $0x1;
	s10 =	sld [smem:$0x3FBA];
	_ =	sdelay $0x3  }
0x37: {  	[smem:$0x3FBA] =	sst s10  }
0x38: {  	s10 =	sld [smem:$0x3FBB]  }
0x39: {  	_ = 	snop;
	(pc) =	sbr.ind lr, $3  }
0x3a: {  	_ = 	snop  }
0x3b: {  	_ = 	snop  }
0x3c: {  	p2 =	seq.s32 s10, $0x1;
	s10 =	sld [smem:$0x3FBA]  }
0x3d: {  	_ =	shalt  }
0x3e: {  	_ =	shalt  }
0x3f: {  	_ =	shalt  }
0x40: {  	_ =	shalt  }
0x41: {  	_ =	shalt  }
0x42: {  	_ =	shalt  }
0x43: {  	_ =	shalt  }
0x44: {  	_ =	shalt  }
0x45: {  	_ =	shalt  }
0x46: {  	_ =	shalt  }
0x47: {  	_ =	shalt  }
0x48: {  	_ =	shalt  }
0x49: {  	_ =	shalt  }
0x4a: {  	_ =	shalt  }
0x4b: {  	_ =	shalt  }
0x4c: {  	_ =	shalt  }
0x4d: {  	_ =	shalt  }
0x4e: {  	_ =	shalt  }
0x4f: {  	_ =	shalt  }
0x50: {  	_ =	shalt  }
0x51: {  	_ =	shalt  }
0x52: {  	_ =	shalt  }
0x53: {  	_ =	shalt  }
0x54: {  	_ =	shalt  }
0x55: {  	_ =	shalt  }
0x56: {  	_ =	shalt  }
0x57: {  	_ =	shalt  }
0x58: {  	_ =	shalt  }
0x59: {  	_ =	shalt  }
0x5a: {  	_ =	shalt  }
0x5b: {  	_ =	shalt  }
0x5c: {  	_ =	shalt  }
0x5d: {  	_ =	shalt  }
0x5e: {  	_ =	shalt  }
0x5f: {  	_ =	shalt  }
0x60: {  	_ =	shalt  }
0x61: {  	_ =	shalt  }
0x62: {  	_ =	shalt  }
0x63: {  	_ =	shalt  }
0x64: {  	_ =	shalt  }
0x65: {  	_ =	shalt  }
0x66: {  	_ =	shalt  }
0x67: {  	_ =	shalt  }
0x68: {  	_ =	shalt  }
0x69: {  	_ =	shalt  }
0x6a: {  	_ =	shalt  }
0x6b: {  	_ =	shalt  }
0x6c: {  	_ =	shalt  }
0x6d: {  	_ =	shalt  }
0x6e: {  	_ =	shalt  }
0x6f: {  	_ =	shalt  }
0x70: {  	_ =	shalt  }
0x71: {  	_ =	shalt  }
0x72: {  	_ =	shalt  }
0x73: {  	_ =	shalt  }
0x74: {  	_ =	shalt  }
0x75: {  	_ =	shalt  }
0x76: {  	_ =	shalt  }
0x77: {  	_ =	shalt  }
0x78: {  	_ =	shalt  }
0x79: {  	_ =	shalt  }
0x7a: {  	_ =	shalt  }
0x7b: {  	_ =	shalt  }
0x7c: {  	_ =	shalt  }
0x7d: {  	_ =	shalt  }
0x7e: {  	_ =	shalt  }
0x7f: {  	_ =	shalt  }
0x80: {  	_ =	shalt  }
0x81: {  	_ =	shalt  }
0x82: {  	_ =	shalt  }
0x83: {  	_ =	shalt  }
0x84: {  	_ =	shalt  }
0x85: {  	_ =	shalt  }
0x86: {  	_ =	shalt  }
0x87: {  	_ =	shalt  }
.Lfunc_end0:
.L_simem_size_0:
called_computation_lowered:
.L_overlay_start_0:
0x88: {  	s2 =	sld [smem:$0x3FD9]  }
0x89: {  	s3 =	sld [smem:$0x3FFE];
	_ =	sdelay $0x1  }
0x8a: {  	s1 =	srdreg.scid  }
0x8b: {  	s0 =	sand.u32 $0x1, s1  }
0x8c: {  	s14 =	sshll.u32 s0, $0xA;
	s2 =	sadd.s32 s3, s2  }
0x8d: {  	s2 =	sadd.s32 s2, s14  }
0x8e: {  	[smem:$0x3FC6] =	sst s2  }
0x8f: {  	_ = 	snop  }
0x90: {  	s2 =	sld [smem:$0x3FD0];
	_ =	sdelay $0x2  }
0x91: {  	s15 =	simm.s32 $0xA;
	s4 =	simm.s32 $0x10  }
0x92: {  	[smem:s4], [sflag:s15] =	dma.local [hbm:s2], $0x1  }
0x93: {  	_ =	swait.eq [sflag:s15], $0x1  }
0x94: {  	[sflag:s15] =	ssyncset.done $0x0  }
0x95: {  	[sflag:s15] =	ssyncadd.s32 $0xFFFFFFFF  }
0x96: {  	s16 =	sld [smem:$0x12];
	(tm) =	ssettm $0x1  }
0x97: {  	s17 =	sld [smem:$0x3FFB];
	_ =	sdelay $0x3  }
0x98: {  	_ =	strace s17  }
0x99: {  	s3 =	sld [smem:$0x3FFC];
	_ =	sdelay $0x3  }
0x9a: {  	_ =	strace s3  }
0x9b: {  	s3 =	sld [smem:$0x3FFD];
	_ =	sdelay $0x3  }
0x9c: {  	_ =	strace s3  }
0x9d: {  	_ =	strace $0x8FFFFFFF  }
0x9e: {  	s18 =	sld [smem:$0x3FDB];
	_ =	sdelay $0x1  }
0x9f: {  	s19 =	simm.s32 $_scs_section_size  }
0xa0: {  	s5 =	simm.s32 $_size__tile_overlayer_lowered;
	s6 =	simm.s32 $_tile_overlayer_lowered  }
0xa1: {  	s22 =	simm.s32 $0x1BFF;
	s21 =	sshll.u32 s6, $0x1;
	s3 =	sadd.s32 s19, s18  }
0xa2: {  	s7 =	simm.s32 $0x0;
	s20 =	sshll.u32 s5, $0x1;
	s5 =	sadd.s32 s21, s3  }
0xa3: {  	[timem:s7], [sflag:s22] =	dma.local [hbm:s5], s20  }
0xa4: {  	_ =	swait.ge [sflag:s22], s20  }
0xa5: {  	s4 =	ssub.s32 $0x0, s20;
	[sflag:s22] =	ssyncset.done $0x0  }
0xa6: {  	[sflag:s22] =	ssyncadd.s32 s4;
	_ =	sdelay $0x1  }
0xa7: {  	s23 =	simm.s32 $0x1B8B  }
0xa8: {  	_ =	swait.ge [sflag:s23], $0x1  }
0xa9: {  	[sflag:s23] =	ssyncset.done $0x0  }
0xaa: {  	s25 =	simm.s32 $0x1B8E;
	s24 =	sld [smem:$0x3FFE];
	[sflag:s23] =	ssyncadd.s32 $0xFFFFFFFF  }
0xab: {  	s26 =	simm.s32 $execute0_lowered;
	[smem:$0x3FD2] =	sst s25  }
0xac: {  	s5 =	sshll.u32 s26, $0x1;
	_ =	strace $0x80000046;
	[dreg:$0x1] =	wrdreg $0xFFFFFFFF  }
0xad: {  	s28 =	simm.s32 $_size_execute0_lowered;
	s3 =	sadd.s32 s3, s5;
	[dreg:$0x0] =	wrdreg $0x0  }
0xae: {  	s5 =	sshll.u32 s28, $0x1;
	[dreg:$0x2] =	wrdreg s3  }
0xaf: {  	[dreg:$0x3] =	wrdreg s5  }
0xb0: {  	[dreg:$0x4] =	wrdreg $0xC0  }
0xb1: {  	_ =	task [dreg:s7], $0x5FFFF  }
0xb2: {  	[dreg:$0x1] =	wrdreg $0xFFFFFFFF  }
0xb3: {  	[dreg:$0x0] =	wrdreg $0x60  }
0xb4: {  	[dreg:$0x2] =	wrdreg s24  }
0xb5: {  	[dreg:$0x3] =	wrdreg s16  }
0xb6: {  	[dreg:$0x4] =	wrdreg $0x9  }
0xb7: {  	_ =	task.clear_ibuf [dreg:s7], $0x5FFFF;
	_ =	strace $0x90000046  }
0xb8: {  	s29 =	simm.s32 $0x9;
	_ =	strace $0x80000048  }
0xb9: {  	_ =	swait.ge [sflag:s29], $0x1  }
0xba: {  	[sflag:s29] =	ssyncadd.s32 $0xFFFFFFFF  }
0xbb: {  	_ =	strace $0x90000048  }
0xbc: {  	_ =	sfence  }
0xbd: {  	s30 =	sld [smem:$0x0];
	_ =	sdelay $0x2  }
0xbe: {  	s31 =	sshll.u32 s1, $0xD;
	s1 =	sshrl.u32 s1, $0x2  }
0xbf: {  	s3 =	sand.u32 $0x4000, s31;
	s1 =	sadd.s32 s1, s30  }
0xc0: {  	s0 =	sor.u32 s3, s0;
	s1 =	sshll.u32 s1, $0x11  }
0xc1: {  	s0 =	sor.u32 s1, s0  }
0xc2: {  	s0 =	sadd.s32 $0x8F2B, s0  }
0xc3: {  	[sflag:s0] =	ssyncadd.remote.s32 $0x1  }
0xc4: {  	_ =	sfence.sel $0xFFFF  }
0xc5: {  	[dreg:$0x0] =	wrdreg $0xFFFFFFFF;
	(pc) =	sbr.abs _section_cstart, $3  }
0xc6: {  	[dreg:$0x1] =	wrdreg $0xFFFFFFFF  }
0xc7: {  	_ =	task.clear_ibuf [dreg:s7], $0x2FFFF;
	_ =	strace $0x9FFFFFFF  }
0xc8: {  	(tm) =	ssettm $0x7FFFFFFF  }
0xc9: {  	_ =	shalt  }
tec
execute0_lowered:
.L_overlay_start_1:
0x0: {  	(tag) =	ssettag $0x1  }
0x1: {  	s1 =	srdreg.scid  }
0x2: {  	s8 =	rddreg [dreg:$0x0];
	s0 =	stileid.u32  }
0x3: {  	s3 =	rddreg [dreg:$0x1];
	s2 =	simm.s32 $0x0;
	s6 =	sand.u32 $0x1, s1  }
0x4: {  	s4 =	sshll.u32 s0, $0xA;
	s1 =	rddreg [dreg:$0x2];
	s5 =	sshll.u32 s6, $0x9  }
0x5: {  	s7 =	simm.s32 $0x1;
	[smem:$0x7FF] =	sst s2;
	s9 =	sor.u32 s5, s4  }
0x6: {  	_ =	strace $0x80000047;
	s10 =	ssub.s32 $0x2, s6;
	s4 =	sshrl.u32 s9, $0x3  }
0x7: {  	s6 =	simm.s32 $0x200;
	s4 =	sadd.s32 s3, s4;
	s3 =	simm.s32 $0x2  }
0x8: {  	[tilespmem:s2], [sflag:$0x2] =	stream.linear.gather [hbm4b:s4+s2], $0x200, $0x38;
	[tilespmem:$0x10200] =	vst v63  }
0x9: {  	s5 =	sadd.s32 $0x200, s8;
	s11 =	sshrl.u32 s10, $0x1;
	_ =	swait.ge [sflag:s3], $0x200  }
0xa: {  	s9 =	sshll.u32 s9, $0x4;
	s31 =	ssub.s32 s10, s11;
	[sflag:s3] =	ssyncset.done $0x0  }
0xb: {  	s8 =	sadd.s32 s9, s8;
	s9 =	smax.u32 s31, $0x1;
	[sflag:s3] =	ssyncadd.s32 $0xFFFFFE00  }
0xc: {  	[tilespmem:s6], [sflag:$0x1] =	stream.indirect.gather [hbm4b:s5+s6], $0x80, s2, s6, $0xb8;
	[tilespmem:$0x10200] =	vst v63  }
0xd: {  	p0 =	sne.s32 s9, $0x1;
	_ =	swait.ge [sflag:s7], $0x10000  }
.Ltmp0:
0xe: {  	[sflag:s7] =	ssyncset.done $0x0;
	(pc) =	sbr.rel @!p0 .LBB2_2-.Ltmp0, $4  }
0xf: {  	s8 =	sadd.s32 $0x20200, s8;
	[sflag:s7] =	ssyncadd.s32 $0xFFFF0000  }
0x10: {  	[hbm4b:s8+s2] =	stream.linear.scatter [tilespmem:s6], [sflag:$0x2], $0x10000, $0x38;
	[tilespmem:$0x10200] =	vst v63  }
0x11: {  	_ =	swait.ge [sflag:s3], $0x10000  }
0x12: {  	s9 =	sadd.s32 $0xFFFFFFFF, s9;
	[sflag:s3] =	ssyncset.done $0x0  }
.LBB2_1:
0x13: {  	p0 =	sne.s32 s9, $0x1;
	s9 =	sadd.s32 $0xFFFFFFFF, s9;
	[sflag:s3] =	ssyncadd.s32 $0xFFFF0000  }
0x14: {  	[tilespmem:s2], [sflag:$0x2] =	stream.linear.gather [hbm4b:s4+s2], $0x200, $0x38;
	[tilespmem:$0x10200] =	vst v63  }
0x15: {  	_ =	swait.ge [sflag:s3], $0x200  }
0x16: {  	[sflag:s3] =	ssyncset.done $0x0  }
0x17: {  	[sflag:s3] =	ssyncadd.s32 $0xFFFFFE00  }
0x18: {  	[tilespmem:s6], [sflag:$0x1] =	stream.indirect.gather [hbm4b:s5+s6], $0x80, s2, s6, $0xb8;
	[tilespmem:$0x10200] =	vst v63  }
0x19: {  	_ =	swait.ge [sflag:s7], $0x10000  }
.Ltmp1:
0x1a: {  	[sflag:s7] =	ssyncset.done $0x0;
	(pc) =	sbr.rel @p0 .LBB2_1-.Ltmp1, $4  }
0x1b: {  	[sflag:s7] =	ssyncadd.s32 $0xFFFF0000  }
0x1c: {  	[hbm4b:s8+s2] =	stream.linear.scatter [tilespmem:s6], [sflag:$0x2], $0x10000, $0x38;
	[tilespmem:$0x10200] =	vst v63  }
0x1d: {  	_ =	swait.ge [sflag:s3], $0x10000  }
0x1e: {  	[sflag:s3] =	ssyncset.done $0x0  }
.LBB2_2:
0x1f: {  	[sflag:s3] =	ssyncadd.s32 $0xFFFF0000  }
0x20: {  	_ =	sfence.sel $0x180000  }
0x21: {  	[bflag:$0x0] =	sbarrier.arrive $0xFFFF  }
0x22: {  	p0 =	sne.s32 s0, $0x0;
	_ =	strace $0x90000047  }
0x23: {  	s0 =	sadd.s32 @!p0 $0x100000, s1;
	[bflag:$0x2] =	sbarrier.arrive $0xFFFF  }
0x24: {  	[sflag:s0] =	ssyncadd.tile.s32 @!p0 $0x1;
	_ =	shalt  }
.Lfunc_end2:
_tile_overlayer_lowered:
.L_overlay_start_2:
0x25: {  	(tag) =	ssettag $0x2  }
0x26: {  	s0 =	rddreg [dreg:$0x0];
	s2 =	stileid.u32  }
0x27: {  	s1 =	rddreg [dreg:$0x1];
	p0 =	sne.s32 s2, $0x0  }
0x28: {  	s3 =	rddreg [dreg:$0x2];
	[bflag:$0x3] =	sbarrier.arrive $0xFFFF;
	s2 =	simm.s32 @!p0 $0x1C02  }
0x29: {  	[timem:s3], [sflag:s2] =	dma.local @!p0 [hbm:s0], s1  }
0x2a: {  	s0 =	simm.s32 @!p0 $0x2  }
0x2b: {  	_ =	swait.ge @!p0 [sflag:s0], s1  }
0x2c: {  	s1 =	ssub.s32 @!p0 $0x0, s1;
	[sflag:s0] =	ssyncset.done @!p0 $0x0  }
0x2d: {  	[sflag:s0] =	ssyncadd.s32 @!p0 s1  }
0x2e: {  	[bflag:$0x3] =	sbarrier.arrive $0xFFFF  }
0x2f: {  	_ =	shalt  }

</sc_bundles>
